<compile_context>
chip_gen: v7x
topology: tpu7x:2x2x1
jax: 0.10.2.dev20260603
libtpu: 0.0.44.dev20260713+nightly
codegen_flags: <defaults>
</compile_context>

<pallas_src>
import functools

import jax
import jax.numpy as jnp
import numpy as np
from jax import lax
from jax.experimental import pallas as pl
from jax.experimental.pallas import tpu as pltpu
from jax.experimental.pallas import tpu_sc as plsc

_B = 16384
_D = 128
_NC = 2
_NS = 16
_NW = _NC * _NS
_RPW = _B // _NW
_CR = 256
_CHUNKS = (256, 256)
_NCHUNK = _RPW // _CR
_L = 16


def _sc_body(
    s_hbm, w_hbm, oh_hbm, lp_hbm,
    s_a, s_b, w_v, d_v, lp_v, oh_v, sem_a, sem_b,
):
    wid = lax.axis_index("s") * _NC + lax.axis_index("c")
    base = wid * _RPW
    bufs = (s_a, s_b)
    sems = (sem_a, sem_b)

    copies = [None, None]
    copies[0] = pltpu.async_copy(
        s_hbm.at[pl.ds(base, _CHUNKS[0]), :],
        s_a.at[pl.ds(0, _CHUNKS[0]), :],
        sem_a,
    )
    pltpu.sync_copy(w_hbm, w_v)

    lanes = lax.iota(jnp.int32, 16)

    def _bf16_round(x):
        c = x * 65537.0
        return c - (c - x)

    wd = []
    for j in range(8):
        pair_idx = (lanes + (16 * j)) * 2
        w0 = plsc.load_gather(w_v, [pair_idx])
        w1 = plsc.load_gather(w_v, [pair_idx + 1])
        wd.append(_bf16_round(w1) - _bf16_round(w0))

    lane15 = lanes == (_L - 1)
    zero_idx = lanes * 0

    row_off = 0
    for c, nrows in enumerate(_CHUNKS):
        if c + 1 < len(_CHUNKS):
            copies[(c + 1) % 2] = pltpu.async_copy(
                s_hbm.at[pl.ds(base + row_off + nrows, _CHUNKS[c + 1]), :],
                bufs[(c + 1) % 2].at[pl.ds(0, _CHUNKS[c + 1]), :],
                sems[(c + 1) % 2],
            )
        copies[c % 2].wait()
        buf = bufs[c % 2]

        @plsc.parallel_loop(0, nrows, step=1, unroll=2)
        def _row(r, _buf=buf, _off=row_off):
            acc = _bf16_round(_buf[r, pl.ds(0, _L)]) * wd[0]
            for j in range(1, 8):
                acc = acc + _bf16_round(_buf[r, pl.ds(16 * j, _L)]) * wd[j]
            plsc.store_scatter(
                d_v, [zero_idx + (_off + r)], jnp.cumsum(acc), mask=lane15
            )

        row_off += nrows

    col_is_one = (lanes & 1) == 1
    pair_lo = lanes >> 1
    pair_hi = pair_lo + 8

    @plsc.parallel_loop(0, _RPW, step=_L)
    def _tail(r0):
        d = d_v[pl.ds(r0, _L)]
        y = jnp.exp(-jnp.abs(d))
        r = y / (2.0 + y)
        r2 = r * r
        poly = 1.0 + r2 * (
            (1.0 / 3.0)
            + r2 * ((1.0 / 5.0) + r2 * ((1.0 / 7.0) + r2 * (1.0 / 9.0)))
        )
        lp_v[pl.ds(r0, _L)] = (-2.0) * r * poly

        dlo = jnp.take(d, pair_lo, mode="wrap")
        dhi = jnp.take(d, pair_hi, mode="wrap")
        oh_v[pl.ds(2 * r0, _L)] = jnp.where(col_is_one == (dlo > 0.0), 1.0, 0.0)
        oh_v[pl.ds(2 * r0 + _L, _L)] = jnp.where(col_is_one == (dhi > 0.0), 1.0, 0.0)

    pltpu.sync_copy(oh_v, oh_hbm.at[pl.ds(2 * base, 2 * _RPW)])
    pltpu.sync_copy(lp_v, lp_hbm.at[pl.ds(base, _RPW)])


@jax.jit
def _run(s, W):
    mesh = plsc.VectorSubcoreMesh(core_axis_name="c", subcore_axis_name="s")
    f = pl.kernel(
        _sc_body,
        mesh=mesh,
        compiler_params=pltpu.CompilerParams(
            needs_layout_passes=False,
            skip_device_barrier=True,
        ),
        out_type=(
            jax.ShapeDtypeStruct((2 * _B,), jnp.float32),
            jax.ShapeDtypeStruct((_B,), jnp.float32),
        ),
        scratch_types=[
            pltpu.VMEM((_CR, _D), jnp.float32),
            pltpu.VMEM((_CR, _D), jnp.float32),
            pltpu.VMEM((_D * 2,), jnp.float32),
            pltpu.VMEM((_RPW,), jnp.float32),
            pltpu.VMEM((_RPW,), jnp.float32),
            pltpu.VMEM((2 * _RPW,), jnp.float32),
            pltpu.SemaphoreType.DMA,
            pltpu.SemaphoreType.DMA,
        ],
    )
    oh_flat, lp = f(s, W.reshape(-1))
    return oh_flat.reshape(_B, 2), lp


def kernel(s, W):
    return _run(s, W)

# --- scband reference (transcript-rebuilt; emitter-appended) ---
"""Pipeline reference for scband-base-actor-1211180777565 (READ-ONLY COPY).

The authoritative reference and input builder live on the scoring server;
editing this copy changes nothing except your own understanding.
"""

import jax, jax.numpy as jnp
import numpy as np

# BaseActor is abstract (forward raises, self.map undefined). We materialize the
# canonical concrete form: map(s) = softmax(s @ W) with a 2-way action head,
# and run the deterministic choose_action path (need_backward=False, target=True):
#   action = argmax(probs, dim=1); return one-hot scatter into [B, 2].
# We also return log_probs (get_log_probs path) for the chosen actions.

ENC_DIM = 128
BATCH = 16384

def setup_inputs(seed: int = 0) -> dict:
    key = jax.random.key(seed)
    k1, k2 = jax.random.split(key)
    s = jax.random.normal(k1, (BATCH, ENC_DIM), dtype=jnp.float32)
    W = jax.random.normal(k2, (ENC_DIM, 2), dtype=jnp.float32) * 0.02
    return {"s": s, "W": W}

def reference(s, W):
    logits = s @ W                               # map(s) pre-softmax
    probs = jax.nn.softmax(logits, axis=-1)
    # need_backward=False branch: action = torch.max(probs, 1)[1]
    actions = jnp.argmax(probs, axis=1)
    B = s.shape[0]
    rows = jnp.arange(B)
    # target=True branch: zeros(B,2).scatter_(1, actions.unsqueeze(1), 1)
    one_hot = jnp.zeros((B, 2), dtype=jnp.float32).at[rows, actions].set(1.0)
    # get_log_probs: Categorical(probs).log_prob(action)
    log_probs = jnp.log(probs)[rows, actions]
    return one_hot, log_probs

if __name__ == "__main__":
    import jax
    _d = setup_inputs()
    print(jax.jit(kernel)(*tuple(_d.values())))

</pallas_src>

<mosaic_0001>
#map = affine_map<(d0, d1) -> (0, 0)>
#map1 = affine_map<(d0, d1) -> (0)>
module attributes {stable_mosaic.version = 14 : i64} {
  func.func @_sc_body(%arg0: i32, %arg1: i32, %arg2: memref<16384x128xf32, #tpu.memory_space<hbm>>, %arg3: memref<256xf32, #tpu.memory_space<hbm>>, %arg4: memref<32768xf32, #tpu.memory_space<hbm>>, %arg5: memref<16384xf32, #tpu.memory_space<hbm>>, %arg6: memref<256x128xf32, #tpu.memory_space<vmem>>, %arg7: memref<256x128xf32, #tpu.memory_space<vmem>>, %arg8: memref<256xf32, #tpu.memory_space<vmem>>, %arg9: memref<512xf32, #tpu.memory_space<vmem>>, %arg10: memref<512xf32, #tpu.memory_space<vmem>>, %arg11: memref<1024xf32, #tpu.memory_space<vmem>>, %arg12: memref<!tpu.dma_semaphore, #tpu.memory_space<semaphore_mem>>, %arg13: memref<!tpu.dma_semaphore, #tpu.memory_space<semaphore_mem>>) attributes {dimension_semantics = [#tpu.dimension_semantics<core_parallel>, #tpu.dimension_semantics<subcore_parallel>], iteration_bounds = array<i64: 2, 16>, scalar_prefetch = 0 : i64, scratch_operands = 8 : i64, tpu.core_type = #tpu.core_type<sc_vector_subcore>, window_params = [{transform_indices = #map}, {transform_indices = #map1}, {transform_indices = #map1}, {transform_indices = #map1}]} {
    %mul3A = arith.constant 2 : i32
    %mul3A_0 = arith.muli %arg1, %mul3A : i32
    %add3A = arith.addi %mul3A_0, %arg0 : i32
    %mul3A_1 = arith.constant 512 : i32
    %mul3A_2 = arith.muli %add3A, %mul3A_1 : i32
    %dma_start3A = arith.constant 0 : i32
    %dma_start3A_3 = arith.constant 0 : i32
    %dma_start3A_4 = tpu.memref_slice %arg6[%dma_start3A, %dma_start3A_3] : memref<256x128xf32, #tpu.memory_space<vmem>> -> memref<256x128xf32, #tpu.memory_space<vmem>>
    %dma_start3A_5 = arith.constant 0 : i32
    %dma_start3A_6 = tpu.memref_slice %arg2[%mul3A_2, %dma_start3A_5] : memref<16384x128xf32, #tpu.memory_space<hbm>> -> memref<256x128xf32, #tpu.memory_space<hbm>>
    %dma_start3A_7 = arith.constant 0 : i32
    %dma_start3A_8 = arith.constant 0 : i32
    %dma_start3A_9 = tpu.memref_slice %arg6[%dma_start3A_7, %dma_start3A_8] : memref<256x128xf32, #tpu.memory_space<vmem>> -> memref<256x128xf32, #tpu.memory_space<vmem>>
    %dma_start3A_10 = arith.constant 0 : i32
    %dma_start3A_11 = tpu.memref_slice %arg2[%mul3A_2, %dma_start3A_10] : memref<16384x128xf32, #tpu.memory_space<hbm>> -> memref<256x128xf32, #tpu.memory_space<hbm>>
    tpu.enqueue_dma source(%dma_start3A_11 : memref<256x128xf32, #tpu.memory_space<hbm>>) target(%dma_start3A_9 : memref<256x128xf32, #tpu.memory_space<vmem>>) target_semaphore(%arg12 : memref<!tpu.dma_semaphore, #tpu.memory_space<semaphore_mem>>)
    "tpu.region"() ({
      %run_scoped3A = tpu.sem_alloc : memref<!tpu.dma_semaphore, #tpu.memory_space<semaphore_mem>>
      tpu.enqueue_dma source(%arg3 : memref<256xf32, #tpu.memory_space<hbm>>) target(%arg8 : memref<256xf32, #tpu.memory_space<vmem>>) target_semaphore(%run_scoped3A : memref<!tpu.dma_semaphore, #tpu.memory_space<semaphore_mem>>)
      tpu.wait_dma2 semaphore(%run_scoped3A : memref<!tpu.dma_semaphore, #tpu.memory_space<semaphore_mem>>) src(%arg3 : memref<256xf32, #tpu.memory_space<hbm>>) dst(%arg8 : memref<256xf32, #tpu.memory_space<vmem>>)
      tpu.yield
    }) : () -> ()
    %iota3A = tpu.iota {dimensions = array<i32: 0>} : vector<16xi32>
    %add3A_12 = arith.constant 0 : i32
    %add3A_13 = vector.broadcast %add3A_12 : i32 to vector<16xi32>
    %add3A_14 = arith.addi %iota3A, %add3A_13 : vector<16xi32>
    %mul3A_15 = arith.constant 2 : i32
    %mul3A_16 = vector.broadcast %mul3A_15 : i32 to vector<16xi32>
    %mul3A_17 = arith.muli %add3A_14, %mul3A_16 : vector<16xi32>
    %gather3A = tpu.vector_load_idx %arg8[%mul3A_17] : memref<256xf32, #tpu.memory_space<vmem>>[vector<16xi32>], vector<16xf32>,
    %add3A_18 = arith.constant 1 : i32
    %add3A_19 = vector.broadcast %add3A_18 : i32 to vector<16xi32>
    %add3A_20 = arith.addi %mul3A_17, %add3A_19 : vector<16xi32>
    %gather3A_21 = tpu.vector_load_idx %arg8[%add3A_20] : memref<256xf32, #tpu.memory_space<vmem>>[vector<16xi32>], vector<16xf32>,
    %mul3A_22 = arith.constant 6.553700e+04 : f32
    %mul3A_23 = vector.broadcast %mul3A_22 : f32 to vector<16xf32>
    %mul3A_24 = arith.mulf %gather3A_21, %mul3A_23 : vector<16xf32>
    %sub3A = arith.subf %mul3A_24, %gather3A_21 : vector<16xf32>
    %sub3A_25 = arith.subf %mul3A_24, %sub3A : vector<16xf32>
    %mul3A_26 = arith.constant 6.553700e+04 : f32
    %mul3A_27 = vector.broadcast %mul3A_26 : f32 to vector<16xf32>
    %mul3A_28 = arith.mulf %gather3A, %mul3A_27 : vector<16xf32>
    %sub3A_29 = arith.subf %mul3A_28, %gather3A : vector<16xf32>
    %sub3A_30 = arith.subf %mul3A_28, %sub3A_29 : vector<16xf32>
    %sub3A_31 = arith.subf %sub3A_25, %sub3A_30 : vector<16xf32>
    %add3A_32 = arith.constant 16 : i32
    %add3A_33 = vector.broadcast %add3A_32 : i32 to vector<16xi32>
    %add3A_34 = arith.addi %iota3A, %add3A_33 : vector<16xi32>
    %mul3A_35 = arith.constant 2 : i32
    %mul3A_36 = vector.broadcast %mul3A_35 : i32 to vector<16xi32>
    %mul3A_37 = arith.muli %add3A_34, %mul3A_36 : vector<16xi32>
    %gather3A_38 = tpu.vector_load_idx %arg8[%mul3A_37] : memref<256xf32, #tpu.memory_space<vmem>>[vector<16xi32>], vector<16xf32>,
    %add3A_39 = arith.constant 1 : i32
    %add3A_40 = vector.broadcast %add3A_39 : i32 to vector<16xi32>
    %add3A_41 = arith.addi %mul3A_37, %add3A_40 : vector<16xi32>
    %gather3A_42 = tpu.vector_load_idx %arg8[%add3A_41] : memref<256xf32, #tpu.memory_space<vmem>>[vector<16xi32>], vector<16xf32>,
    %mul3A_43 = arith.constant 6.553700e+04 : f32
    %mul3A_44 = vector.broadcast %mul3A_43 : f32 to vector<16xf32>
    %mul3A_45 = arith.mulf %gather3A_42, %mul3A_44 : vector<16xf32>
    %sub3A_46 = arith.subf %mul3A_45, %gather3A_42 : vector<16xf32>
    %sub3A_47 = arith.subf %mul3A_45, %sub3A_46 : vector<16xf32>
    %mul3A_48 = arith.constant 6.553700e+04 : f32
    %mul3A_49 = vector.broadcast %mul3A_48 : f32 to vector<16xf32>
    %mul3A_50 = arith.mulf %gather3A_38, %mul3A_49 : vector<16xf32>
    %sub3A_51 = arith.subf %mul3A_50, %gather3A_38 : vector<16xf32>
    %sub3A_52 = arith.subf %mul3A_50, %sub3A_51 : vector<16xf32>
    %sub3A_53 = arith.subf %sub3A_47, %sub3A_52 : vector<16xf32>
    %add3A_54 = arith.constant 32 : i32
    %add3A_55 = vector.broadcast %add3A_54 : i32 to vector<16xi32>
    %add3A_56 = arith.addi %iota3A, %add3A_55 : vector<16xi32>
    %mul3A_57 = arith.constant 2 : i32
    %mul3A_58 = vector.broadcast %mul3A_57 : i32 to vector<16xi32>
    %mul3A_59 = arith.muli %add3A_56, %mul3A_58 : vector<16xi32>
    %gather3A_60 = tpu.vector_load_idx %arg8[%mul3A_59] : memref<256xf32, #tpu.memory_space<vmem>>[vector<16xi32>], vector<16xf32>,
    %add3A_61 = arith.constant 1 : i32
    %add3A_62 = vector.broadcast %add3A_61 : i32 to vector<16xi32>
    %add3A_63 = arith.addi %mul3A_59, %add3A_62 : vector<16xi32>
    %gather3A_64 = tpu.vector_load_idx %arg8[%add3A_63] : memref<256xf32, #tpu.memory_space<vmem>>[vector<16xi32>], vector<16xf32>,
    %mul3A_65 = arith.constant 6.553700e+04 : f32
    %mul3A_66 = vector.broadcast %mul3A_65 : f32 to vector<16xf32>
    %mul3A_67 = arith.mulf %gather3A_64, %mul3A_66 : vector<16xf32>
    %sub3A_68 = arith.subf %mul3A_67, %gather3A_64 : vector<16xf32>
    %sub3A_69 = arith.subf %mul3A_67, %sub3A_68 : vector<16xf32>
    %mul3A_70 = arith.constant 6.553700e+04 : f32
    %mul3A_71 = vector.broadcast %mul3A_70 : f32 to vector<16xf32>
    %mul3A_72 = arith.mulf %gather3A_60, %mul3A_71 : vector<16xf32>
    %sub3A_73 = arith.subf %mul3A_72, %gather3A_60 : vector<16xf32>
    %sub3A_74 = arith.subf %mul3A_72, %sub3A_73 : vector<16xf32>
    %sub3A_75 = arith.subf %sub3A_69, %sub3A_74 : vector<16xf32>
    %add3A_76 = arith.constant 48 : i32
    %add3A_77 = vector.broadcast %add3A_76 : i32 to vector<16xi32>
    %add3A_78 = arith.addi %iota3A, %add3A_77 : vector<16xi32>
    %mul3A_79 = arith.constant 2 : i32
    %mul3A_80 = vector.broadcast %mul3A_79 : i32 to vector<16xi32>
    %mul3A_81 = arith.muli %add3A_78, %mul3A_80 : vector<16xi32>
    %gather3A_82 = tpu.vector_load_idx %arg8[%mul3A_81] : memref<256xf32, #tpu.memory_space<vmem>>[vector<16xi32>], vector<16xf32>,
    %add3A_83 = arith.constant 1 : i32
    %add3A_84 = vector.broadcast %add3A_83 : i32 to vector<16xi32>
    %add3A_85 = arith.addi %mul3A_81, %add3A_84 : vector<16xi32>
    %gather3A_86 = tpu.vector_load_idx %arg8[%add3A_85] : memref<256xf32, #tpu.memory_space<vmem>>[vector<16xi32>], vector<16xf32>,
    %mul3A_87 = arith.constant 6.553700e+04 : f32
    %mul3A_88 = vector.broadcast %mul3A_87 : f32 to vector<16xf32>
    %mul3A_89 = arith.mulf %gather3A_86, %mul3A_88 : vector<16xf32>
    %sub3A_90 = arith.subf %mul3A_89, %gather3A_86 : vector<16xf32>
    %sub3A_91 = arith.subf %mul3A_89, %sub3A_90 : vector<16xf32>
    %mul3A_92 = arith.constant 6.553700e+04 : f32
    %mul3A_93 = vector.broadcast %mul3A_92 : f32 to vector<16xf32>
    %mul3A_94 = arith.mulf %gather3A_82, %mul3A_93 : vector<16xf32>
    %sub3A_95 = arith.subf %mul3A_94, %gather3A_82 : vector<16xf32>
    %sub3A_96 = arith.subf %mul3A_94, %sub3A_95 : vector<16xf32>
    %sub3A_97 = arith.subf %sub3A_91, %sub3A_96 : vector<16xf32>
    %add3A_98 = arith.constant 64 : i32
    %add3A_99 = vector.broadcast %add3A_98 : i32 to vector<16xi32>
    %add3A_100 = arith.addi %iota3A, %add3A_99 : vector<16xi32>
    %mul3A_101 = arith.constant 2 : i32
    %mul3A_102 = vector.broadcast %mul3A_101 : i32 to vector<16xi32>
    %mul3A_103 = arith.muli %add3A_100, %mul3A_102 : vector<16xi32>
    %gather3A_104 = tpu.vector_load_idx %arg8[%mul3A_103] : memref<256xf32, #tpu.memory_space<vmem>>[vector<16xi32>], vector<16xf32>,
    %add3A_105 = arith.constant 1 : i32
    %add3A_106 = vector.broadcast %add3A_105 : i32 to vector<16xi32>
    %add3A_107 = arith.addi %mul3A_103, %add3A_106 : vector<16xi32>
    %gather3A_108 = tpu.vector_load_idx %arg8[%add3A_107] : memref<256xf32, #tpu.memory_space<vmem>>[vector<16xi32>], vector<16xf32>,
    %mul3A_109 = arith.constant 6.553700e+04 : f32
    %mul3A_110 = vector.broadcast %mul3A_109 : f32 to vector<16xf32>
    %mul3A_111 = arith.mulf %gather3A_108, %mul3A_110 : vector<16xf32>
    %sub3A_112 = arith.subf %mul3A_111, %gather3A_108 : vector<16xf32>
    %sub3A_113 = arith.subf %mul3A_111, %sub3A_112 : vector<16xf32>
    %mul3A_114 = arith.constant 6.553700e+04 : f32
    %mul3A_115 = vector.broadcast %mul3A_114 : f32 to vector<16xf32>
    %mul3A_116 = arith.mulf %gather3A_104, %mul3A_115 : vector<16xf32>
    %sub3A_117 = arith.subf %mul3A_116, %gather3A_104 : vector<16xf32>
    %sub3A_118 = arith.subf %mul3A_116, %sub3A_117 : vector<16xf32>
    %sub3A_119 = arith.subf %sub3A_113, %sub3A_118 : vector<16xf32>
    %add3A_120 = arith.constant 80 : i32
    %add3A_121 = vector.broadcast %add3A_120 : i32 to vector<16xi32>
    %add3A_122 = arith.addi %iota3A, %add3A_121 : vector<16xi32>
    %mul3A_123 = arith.constant 2 : i32
    %mul3A_124 = vector.broadcast %mul3A_123 : i32 to vector<16xi32>
    %mul3A_125 = arith.muli %add3A_122, %mul3A_124 : vector<16xi32>
    %gather3A_126 = tpu.vector_load_idx %arg8[%mul3A_125] : memref<256xf32, #tpu.memory_space<vmem>>[vector<16xi32>], vector<16xf32>,
    %add3A_127 = arith.constant 1 : i32
    %add3A_128 = vector.broadcast %add3A_127 : i32 to vector<16xi32>
    %add3A_129 = arith.addi %mul3A_125, %add3A_128 : vector<16xi32>
    %gather3A_130 = tpu.vector_load_idx %arg8[%add3A_129] : memref<256xf32, #tpu.memory_space<vmem>>[vector<16xi32>], vector<16xf32>,
    %mul3A_131 = arith.constant 6.553700e+04 : f32
    %mul3A_132 = vector.broadcast %mul3A_131 : f32 to vector<16xf32>
    %mul3A_133 = arith.mulf %gather3A_130, %mul3A_132 : vector<16xf32>
    %sub3A_134 = arith.subf %mul3A_133, %gather3A_130 : vector<16xf32>
    %sub3A_135 = arith.subf %mul3A_133, %sub3A_134 : vector<16xf32>
    %mul3A_136 = arith.constant 6.553700e+04 : f32
    %mul3A_137 = vector.broadcast %mul3A_136 : f32 to vector<16xf32>
    %mul3A_138 = arith.mulf %gather3A_126, %mul3A_137 : vector<16xf32>
    %sub3A_139 = arith.subf %mul3A_138, %gather3A_126 : vector<16xf32>
    %sub3A_140 = arith.subf %mul3A_138, %sub3A_139 : vector<16xf32>
    %sub3A_141 = arith.subf %sub3A_135, %sub3A_140 : vector<16xf32>
    %add3A_142 = arith.constant 96 : i32
    %add3A_143 = vector.broadcast %add3A_142 : i32 to vector<16xi32>
    %add3A_144 = arith.addi %iota3A, %add3A_143 : vector<16xi32>
    %mul3A_145 = arith.constant 2 : i32
    %mul3A_146 = vector.broadcast %mul3A_145 : i32 to vector<16xi32>
    %mul3A_147 = arith.muli %add3A_144, %mul3A_146 : vector<16xi32>
    %gather3A_148 = tpu.vector_load_idx %arg8[%mul3A_147] : memref<256xf32, #tpu.memory_space<vmem>>[vector<16xi32>], vector<16xf32>,
    %add3A_149 = arith.constant 1 : i32
    %add3A_150 = vector.broadcast %add3A_149 : i32 to vector<16xi32>
    %add3A_151 = arith.addi %mul3A_147, %add3A_150 : vector<16xi32>
    %gather3A_152 = tpu.vector_load_idx %arg8[%add3A_151] : memref<256xf32, #tpu.memory_space<vmem>>[vector<16xi32>], vector<16xf32>,
    %mul3A_153 = arith.constant 6.553700e+04 : f32
    %mul3A_154 = vector.broadcast %mul3A_153 : f32 to vector<16xf32>
    %mul3A_155 = arith.mulf %gather3A_152, %mul3A_154 : vector<16xf32>
    %sub3A_156 = arith.subf %mul3A_155, %gather3A_152 : vector<16xf32>
    %sub3A_157 = arith.subf %mul3A_155, %sub3A_156 : vector<16xf32>
    %mul3A_158 = arith.constant 6.553700e+04 : f32
    %mul3A_159 = vector.broadcast %mul3A_158 : f32 to vector<16xf32>
    %mul3A_160 = arith.mulf %gather3A_148, %mul3A_159 : vector<16xf32>
    %sub3A_161 = arith.subf %mul3A_160, %gather3A_148 : vector<16xf32>
    %sub3A_162 = arith.subf %mul3A_160, %sub3A_161 : vector<16xf32>
    %sub3A_163 = arith.subf %sub3A_157, %sub3A_162 : vector<16xf32>
    %add3A_164 = arith.constant 112 : i32
    %add3A_165 = vector.broadcast %add3A_164 : i32 to vector<16xi32>
    %add3A_166 = arith.addi %iota3A, %add3A_165 : vector<16xi32>
    %mul3A_167 = arith.constant 2 : i32
    %mul3A_168 = vector.broadcast %mul3A_167 : i32 to vector<16xi32>
    %mul3A_169 = arith.muli %add3A_166, %mul3A_168 : vector<16xi32>
    %gather3A_170 = tpu.vector_load_idx %arg8[%mul3A_169] : memref<256xf32, #tpu.memory_space<vmem>>[vector<16xi32>], vector<16xf32>,
    %add3A_171 = arith.constant 1 : i32
    %add3A_172 = vector.broadcast %add3A_171 : i32 to vector<16xi32>
    %add3A_173 = arith.addi %mul3A_169, %add3A_172 : vector<16xi32>
    %gather3A_174 = tpu.vector_load_idx %arg8[%add3A_173] : memref<256xf32, #tpu.memory_space<vmem>>[vector<16xi32>], vector<16xf32>,
    %mul3A_175 = arith.constant 6.553700e+04 : f32
    %mul3A_176 = vector.broadcast %mul3A_175 : f32 to vector<16xf32>
    %mul3A_177 = arith.mulf %gather3A_174, %mul3A_176 : vector<16xf32>
    %sub3A_178 = arith.subf %mul3A_177, %gather3A_174 : vector<16xf32>
    %sub3A_179 = arith.subf %mul3A_177, %sub3A_178 : vector<16xf32>
    %mul3A_180 = arith.constant 6.553700e+04 : f32
    %mul3A_181 = vector.broadcast %mul3A_180 : f32 to vector<16xf32>
    %mul3A_182 = arith.mulf %gather3A_170, %mul3A_181 : vector<16xf32>
    %sub3A_183 = arith.subf %mul3A_182, %gather3A_170 : vector<16xf32>
    %sub3A_184 = arith.subf %mul3A_182, %sub3A_183 : vector<16xf32>
    %sub3A_185 = arith.subf %sub3A_179, %sub3A_184 : vector<16xf32>
    %eq3A = arith.constant 15 : i32
    %eq3A_186 = vector.broadcast %eq3A : i32 to vector<16xi32>
    %eq3A_187 = arith.cmpi eq, %iota3A, %eq3A_186 : vector<16xi32>
    %mul3A_188 = arith.constant 0 : i32
    %mul3A_189 = vector.broadcast %mul3A_188 : i32 to vector<16xi32>
    %mul3A_190 = arith.muli %iota3A, %mul3A_189 : vector<16xi32>
    %add3A_191 = arith.constant 0 : i32
    %add3A_192 = arith.addi %mul3A_2, %add3A_191 : i32
    %add3A_193 = arith.constant 256 : i32
    %add3A_194 = arith.addi %add3A_192, %add3A_193 : i32
    %dma_start3A_195 = arith.constant 0 : i32
    %dma_start3A_196 = arith.constant 0 : i32
    %dma_start3A_197 = tpu.memref_slice %arg7[%dma_start3A_195, %dma_start3A_196] : memref<256x128xf32, #tpu.memory_space<vmem>> -> memref<256x128xf32, #tpu.memory_space<vmem>>
    %dma_start3A_198 = arith.constant 0 : i32
    %dma_start3A_199 = tpu.memref_slice %arg2[%add3A_194, %dma_start3A_198] : memref<16384x128xf32, #tpu.memory_space<hbm>> -> memref<256x128xf32, #tpu.memory_space<hbm>>
    %dma_start3A_200 = arith.constant 0 : i32
    %dma_start3A_201 = arith.constant 0 : i32
    %dma_start3A_202 = tpu.memref_slice %arg7[%dma_start3A_200, %dma_start3A_201] : memref<256x128xf32, #tpu.memory_space<vmem>> -> memref<256x128xf32, #tpu.memory_space<vmem>>
    %dma_start3A_203 = arith.constant 0 : i32
    %dma_start3A_204 = tpu.memref_slice %arg2[%add3A_194, %dma_start3A_203] : memref<16384x128xf32, #tpu.memory_space<hbm>> -> memref<256x128xf32, #tpu.memory_space<hbm>>
    tpu.enqueue_dma source(%dma_start3A_204 : memref<256x128xf32, #tpu.memory_space<hbm>>) target(%dma_start3A_202 : memref<256x128xf32, #tpu.memory_space<vmem>>) target_semaphore(%arg13 : memref<!tpu.dma_semaphore, #tpu.memory_space<semaphore_mem>>)
    %dma_wait3A = arith.constant 0 : i32
    %dma_wait3A_205 = arith.constant 0 : i32
    %dma_wait3A_206 = tpu.memref_slice %arg6[%dma_wait3A, %dma_wait3A_205] : memref<256x128xf32, #tpu.memory_space<vmem>> -> memref<256x128xf32, #tpu.memory_space<vmem>>
    %dma_wait3A_207 = arith.constant 0 : i32
    %dma_wait3A_208 = tpu.memref_slice %arg2[%mul3A_2, %dma_wait3A_207] : memref<16384x128xf32, #tpu.memory_space<hbm>> -> memref<256x128xf32, #tpu.memory_space<hbm>>
    %dma_wait3A_209 = arith.constant 0 : i32
    %dma_wait3A_210 = arith.constant 0 : i32
    %dma_wait3A_211 = tpu.memref_slice %arg6[%dma_wait3A_209, %dma_wait3A_210] : memref<256x128xf32, #tpu.memory_space<vmem>> -> memref<256x128xf32, #tpu.memory_space<vmem>>
    %dma_wait3A_212 = arith.constant 0 : i32
    %dma_wait3A_213 = tpu.memref_slice %arg2[%mul3A_2, %dma_wait3A_212] : memref<16384x128xf32, #tpu.memory_space<hbm>> -> memref<256x128xf32, #tpu.memory_space<hbm>>
    tpu.wait_dma2 semaphore(%arg12 : memref<!tpu.dma_semaphore, #tpu.memory_space<semaphore_mem>>) src(%dma_wait3A_213 : memref<256x128xf32, #tpu.memory_space<hbm>>) dst(%dma_wait3A_211 : memref<256x128xf32, #tpu.memory_space<vmem>>)
    %parallel_loop3A = arith.constant 0 : i32
    %parallel_loop3A_214 = arith.constant 256 : i32
    %parallel_loop3A_215 = arith.constant 1 : i32
    scf.for %parallel_loop3A_244 = %parallel_loop3A to %parallel_loop3A_214 step %parallel_loop3A_215  : i32 {
      %parallel_loop3A_245 = arith.index_cast %parallel_loop3A_244 : i32 to index
      %parallel_loop3A_246 = arith.constant 0 : index
      %parallel_loop3A_247 = tpu.vector_load %arg6[%parallel_loop3A_245, %parallel_loop3A_246] {strides = array<i32>} : memref<256x128xf32, #tpu.memory_space<vmem>>, vector<16xf32>,
      %parallel_loop3A_248 = arith.constant 6.553700e+04 : f32
      %parallel_loop3A_249 = vector.broadcast %parallel_loop3A_248 : f32 to vector<16xf32>
      %parallel_loop3A_250 = arith.mulf %parallel_loop3A_247, %parallel_loop3A_249 : vector<16xf32>
      %parallel_loop3A_251 = arith.subf %parallel_loop3A_250, %parallel_loop3A_247 : vector<16xf32>
      %parallel_loop3A_252 = arith.subf %parallel_loop3A_250, %parallel_loop3A_251 : vector<16xf32>
      %parallel_loop3A_253 = arith.mulf %parallel_loop3A_252, %sub3A_31 : vector<16xf32>
      %parallel_loop3A_254 = arith.index_cast %parallel_loop3A_244 : i32 to index
      %parallel_loop3A_255 = arith.constant 16 : index
      %parallel_loop3A_256 = tpu.vector_load %arg6[%parallel_loop3A_254, %parallel_loop3A_255] {strides = array<i32>} : memref<256x128xf32, #tpu.memory_space<vmem>>, vector<16xf32>,
      %parallel_loop3A_257 = arith.constant 6.553700e+04 : f32
      %parallel_loop3A_258 = vector.broadcast %parallel_loop3A_257 : f32 to vector<16xf32>
      %parallel_loop3A_259 = arith.mulf %parallel_loop3A_256, %parallel_loop3A_258 : vector<16xf32>
      %parallel_loop3A_260 = arith.subf %parallel_loop3A_259, %parallel_loop3A_256 : vector<16xf32>
      %parallel_loop3A_261 = arith.subf %parallel_loop3A_259, %parallel_loop3A_260 : vector<16xf32>
      %parallel_loop3A_262 = arith.mulf %parallel_loop3A_261, %sub3A_53 : vector<16xf32>
      %parallel_loop3A_263 = arith.addf %parallel_loop3A_253, %parallel_loop3A_262 : vector<16xf32>
      %parallel_loop3A_264 = arith.index_cast %parallel_loop3A_244 : i32 to index
      %parallel_loop3A_265 = arith.constant 32 : index
      %parallel_loop3A_266 = tpu.vector_load %arg6[%parallel_loop3A_264, %parallel_loop3A_265] {strides = array<i32>} : memref<256x128xf32, #tpu.memory_space<vmem>>, vector<16xf32>,
      %parallel_loop3A_267 = arith.constant 6.553700e+04 : f32
      %parallel_loop3A_268 = vector.broadcast %parallel_loop3A_267 : f32 to vector<16xf32>
      %parallel_loop3A_269 = arith.mulf %parallel_loop3A_266, %parallel_loop3A_268 : vector<16xf32>
      %parallel_loop3A_270 = arith.subf %parallel_loop3A_269, %parallel_loop3A_266 : vector<16xf32>
      %parallel_loop3A_271 = arith.subf %parallel_loop3A_269, %parallel_loop3A_270 : vector<16xf32>
      %parallel_loop3A_272 = arith.mulf %parallel_loop3A_271, %sub3A_75 : vector<16xf32>
      %parallel_loop3A_273 = arith.addf %parallel_loop3A_263, %parallel_loop3A_272 : vector<16xf32>
      %parallel_loop3A_274 = arith.index_cast %parallel_loop3A_244 : i32 to index
      %parallel_loop3A_275 = arith.constant 48 : index
      %parallel_loop3A_276 = tpu.vector_load %arg6[%parallel_loop3A_274, %parallel_loop3A_275] {strides = array<i32>} : memref<256x128xf32, #tpu.memory_space<vmem>>, vector<16xf32>,
      %parallel_loop3A_277 = arith.constant 6.553700e+04 : f32
      %parallel_loop3A_278 = vector.broadcast %parallel_loop3A_277 : f32 to vector<16xf32>
      %parallel_loop3A_279 = arith.mulf %parallel_loop3A_276, %parallel_loop3A_278 : vector<16xf32>
      %parallel_loop3A_280 = arith.subf %parallel_loop3A_279, %parallel_loop3A_276 : vector<16xf32>
      %parallel_loop3A_281 = arith.subf %parallel_loop3A_279, %parallel_loop3A_280 : vector<16xf32>
      %parallel_loop3A_282 = arith.mulf %parallel_loop3A_281, %sub3A_97 : vector<16xf32>
      %parallel_loop3A_283 = arith.addf %parallel_loop3A_273, %parallel_loop3A_282 : vector<16xf32>
      %parallel_loop3A_284 = arith.index_cast %parallel_loop3A_244 : i32 to index
      %parallel_loop3A_285 = arith.constant 64 : index
      %parallel_loop3A_286 = tpu.vector_load %arg6[%parallel_loop3A_284, %parallel_loop3A_285] {strides = array<i32>} : memref<256x128xf32, #tpu.memory_space<vmem>>, vector<16xf32>,
      %parallel_loop3A_287 = arith.constant 6.553700e+04 : f32
      %parallel_loop3A_288 = vector.broadcast %parallel_loop3A_287 : f32 to vector<16xf32>
      %parallel_loop3A_289 = arith.mulf %parallel_loop3A_286, %parallel_loop3A_288 : vector<16xf32>
      %parallel_loop3A_290 = arith.subf %parallel_loop3A_289, %parallel_loop3A_286 : vector<16xf32>
      %parallel_loop3A_291 = arith.subf %parallel_loop3A_289, %parallel_loop3A_290 : vector<16xf32>
      %parallel_loop3A_292 = arith.mulf %parallel_loop3A_291, %sub3A_119 : vector<16xf32>
      %parallel_loop3A_293 = arith.addf %parallel_loop3A_283, %parallel_loop3A_292 : vector<16xf32>
      %parallel_loop3A_294 = arith.index_cast %parallel_loop3A_244 : i32 to index
      %parallel_loop3A_295 = arith.constant 80 : index
      %parallel_loop3A_296 = tpu.vector_load %arg6[%parallel_loop3A_294, %parallel_loop3A_295] {strides = array<i32>} : memref<256x128xf32, #tpu.memory_space<vmem>>, vector<16xf32>,
      %parallel_loop3A_297 = arith.constant 6.553700e+04 : f32
      %parallel_loop3A_298 = vector.broadcast %parallel_loop3A_297 : f32 to vector<16xf32>
      %parallel_loop3A_299 = arith.mulf %parallel_loop3A_296, %parallel_loop3A_298 : vector<16xf32>
      %parallel_loop3A_300 = arith.subf %parallel_loop3A_299, %parallel_loop3A_296 : vector<16xf32>
      %parallel_loop3A_301 = arith.subf %parallel_loop3A_299, %parallel_loop3A_300 : vector<16xf32>
      %parallel_loop3A_302 = arith.mulf %parallel_loop3A_301, %sub3A_141 : vector<16xf32>
      %parallel_loop3A_303 = arith.addf %parallel_loop3A_293, %parallel_loop3A_302 : vector<16xf32>
      %parallel_loop3A_304 = arith.index_cast %parallel_loop3A_244 : i32 to index
      %parallel_loop3A_305 = arith.constant 96 : index
      %parallel_loop3A_306 = tpu.vector_load %arg6[%parallel_loop3A_304, %parallel_loop3A_305] {strides = array<i32>} : memref<256x128xf32, #tpu.memory_space<vmem>>, vector<16xf32>,
      %parallel_loop3A_307 = arith.constant 6.553700e+04 : f32
      %parallel_loop3A_308 = vector.broadcast %parallel_loop3A_307 : f32 to vector<16xf32>
      %parallel_loop3A_309 = arith.mulf %parallel_loop3A_306, %parallel_loop3A_308 : vector<16xf32>
      %parallel_loop3A_310 = arith.subf %parallel_loop3A_309, %parallel_loop3A_306 : vector<16xf32>
      %parallel_loop3A_311 = arith.subf %parallel_loop3A_309, %parallel_loop3A_310 : vector<16xf32>
      %parallel_loop3A_312 = arith.mulf %parallel_loop3A_311, %sub3A_163 : vector<16xf32>
      %parallel_loop3A_313 = arith.addf %parallel_loop3A_303, %parallel_loop3A_312 : vector<16xf32>
      %parallel_loop3A_314 = arith.index_cast %parallel_loop3A_244 : i32 to index
      %parallel_loop3A_315 = arith.constant 112 : index
      %parallel_loop3A_316 = tpu.vector_load %arg6[%parallel_loop3A_314, %parallel_loop3A_315] {strides = array<i32>} : memref<256x128xf32, #tpu.memory_space<vmem>>, vector<16xf32>,
      %parallel_loop3A_317 = arith.constant 6.553700e+04 : f32
      %parallel_loop3A_318 = vector.broadcast %parallel_loop3A_317 : f32 to vector<16xf32>
      %parallel_loop3A_319 = arith.mulf %parallel_loop3A_316, %parallel_loop3A_318 : vector<16xf32>
      %parallel_loop3A_320 = arith.subf %parallel_loop3A_319, %parallel_loop3A_316 : vector<16xf32>
      %parallel_loop3A_321 = arith.subf %parallel_loop3A_319, %parallel_loop3A_320 : vector<16xf32>
      %parallel_loop3A_322 = arith.mulf %parallel_loop3A_321, %sub3A_185 : vector<16xf32>
      %parallel_loop3A_323 = arith.addf %parallel_loop3A_313, %parallel_loop3A_322 : vector<16xf32>
      %parallel_loop3A_324 = arith.constant 0 : i32
      %parallel_loop3A_325 = arith.addi %parallel_loop3A_324, %parallel_loop3A_244 : i32
      %parallel_loop3A_326 = vector.broadcast %parallel_loop3A_325 : i32 to vector<16xi32>
      %parallel_loop3A_327 = arith.addi %mul3A_190, %parallel_loop3A_326 : vector<16xi32>
      %parallel_loop3A_328 = arith.constant true
      %parallel_loop3A_329 = vector.broadcast %parallel_loop3A_328 : i1 to vector<16xi1>
      %parallel_loop3A_330 = tpu.scan <sum>, %parallel_loop3A_323 masked %parallel_loop3A_329 : vector<16xf32>, vector<16xi1> -> vector<16xf32>
      tpu.vector_store_idx %arg9[%parallel_loop3A_327], %parallel_loop3A_330 masked %eq3A_187 : memref<512xf32, #tpu.memory_space<vmem>>[vector<16xi32>], vector<16xf32>, vector<16xi1>
    } {sc.loop_unroll_factor = 2 : i64, sc.parallel_access}
    %dma_wait3A_216 = arith.constant 0 : i32
    %dma_wait3A_217 = arith.constant 0 : i32
    %dma_wait3A_218 = tpu.memref_slice %arg7[%dma_wait3A_216, %dma_wait3A_217] : memref<256x128xf32, #tpu.memory_space<vmem>> -> memref<256x128xf32, #tpu.memory_space<vmem>>
    %dma_wait3A_219 = arith.constant 0 : i32
    %dma_wait3A_220 = tpu.memref_slice %arg2[%add3A_194, %dma_wait3A_219] : memref<16384x128xf32, #tpu.memory_space<hbm>> -> memref<256x128xf32, #tpu.memory_space<hbm>>
    %dma_wait3A_221 = arith.constant 0 : i32
    %dma_wait3A_222 = arith.constant 0 : i32
    %dma_wait3A_223 = tpu.memref_slice %arg7[%dma_wait3A_221, %dma_wait3A_222] : memref<256x128xf32, #tpu.memory_space<vmem>> -> memref<256x128xf32, #tpu.memory_space<vmem>>
    %dma_wait3A_224 = arith.constant 0 : i32
    %dma_wait3A_225 = tpu.memref_slice %arg2[%add3A_194, %dma_wait3A_224] : memref<16384x128xf32, #tpu.memory_space<hbm>> -> memref<256x128xf32, #tpu.memory_space<hbm>>
    tpu.wait_dma2 semaphore(%arg13 : memref<!tpu.dma_semaphore, #tpu.memory_space<semaphore_mem>>) src(%dma_wait3A_225 : memref<256x128xf32, #tpu.memory_space<hbm>>) dst(%dma_wait3A_223 : memref<256x128xf32, #tpu.memory_space<vmem>>)
    %parallel_loop3A_226 = arith.constant 0 : i32
    %parallel_loop3A_227 = arith.constant 256 : i32
    %parallel_loop3A_228 = arith.constant 1 : i32
    scf.for %parallel_loop3A_244 = %parallel_loop3A_226 to %parallel_loop3A_227 step %parallel_loop3A_228  : i32 {
      %parallel_loop3A_245 = arith.index_cast %parallel_loop3A_244 : i32 to index
      %parallel_loop3A_246 = arith.constant 0 : index
      %parallel_loop3A_247 = tpu.vector_load %arg7[%parallel_loop3A_245, %parallel_loop3A_246] {strides = array<i32>} : memref<256x128xf32, #tpu.memory_space<vmem>>, vector<16xf32>,
      %parallel_loop3A_248 = arith.constant 6.553700e+04 : f32
      %parallel_loop3A_249 = vector.broadcast %parallel_loop3A_248 : f32 to vector<16xf32>
      %parallel_loop3A_250 = arith.mulf %parallel_loop3A_247, %parallel_loop3A_249 : vector<16xf32>
      %parallel_loop3A_251 = arith.subf %parallel_loop3A_250, %parallel_loop3A_247 : vector<16xf32>
      %parallel_loop3A_252 = arith.subf %parallel_loop3A_250, %parallel_loop3A_251 : vector<16xf32>
      %parallel_loop3A_253 = arith.mulf %parallel_loop3A_252, %sub3A_31 : vector<16xf32>
      %parallel_loop3A_254 = arith.index_cast %parallel_loop3A_244 : i32 to index
      %parallel_loop3A_255 = arith.constant 16 : index
      %parallel_loop3A_256 = tpu.vector_load %arg7[%parallel_loop3A_254, %parallel_loop3A_255] {strides = array<i32>} : memref<256x128xf32, #tpu.memory_space<vmem>>, vector<16xf32>,
      %parallel_loop3A_257 = arith.constant 6.553700e+04 : f32
      %parallel_loop3A_258 = vector.broadcast %parallel_loop3A_257 : f32 to vector<16xf32>
      %parallel_loop3A_259 = arith.mulf %parallel_loop3A_256, %parallel_loop3A_258 : vector<16xf32>
      %parallel_loop3A_260 = arith.subf %parallel_loop3A_259, %parallel_loop3A_256 : vector<16xf32>
      %parallel_loop3A_261 = arith.subf %parallel_loop3A_259, %parallel_loop3A_260 : vector<16xf32>
      %parallel_loop3A_262 = arith.mulf %parallel_loop3A_261, %sub3A_53 : vector<16xf32>
      %parallel_loop3A_263 = arith.addf %parallel_loop3A_253, %parallel_loop3A_262 : vector<16xf32>
      %parallel_loop3A_264 = arith.index_cast %parallel_loop3A_244 : i32 to index
      %parallel_loop3A_265 = arith.constant 32 : index
      %parallel_loop3A_266 = tpu.vector_load %arg7[%parallel_loop3A_264, %parallel_loop3A_265] {strides = array<i32>} : memref<256x128xf32, #tpu.memory_space<vmem>>, vector<16xf32>,
      %parallel_loop3A_267 = arith.constant 6.553700e+04 : f32
      %parallel_loop3A_268 = vector.broadcast %parallel_loop3A_267 : f32 to vector<16xf32>
      %parallel_loop3A_269 = arith.mulf %parallel_loop3A_266, %parallel_loop3A_268 : vector<16xf32>
      %parallel_loop3A_270 = arith.subf %parallel_loop3A_269, %parallel_loop3A_266 : vector<16xf32>
      %parallel_loop3A_271 = arith.subf %parallel_loop3A_269, %parallel_loop3A_270 : vector<16xf32>
      %parallel_loop3A_272 = arith.mulf %parallel_loop3A_271, %sub3A_75 : vector<16xf32>
      %parallel_loop3A_273 = arith.addf %parallel_loop3A_263, %parallel_loop3A_272 : vector<16xf32>
      %parallel_loop3A_274 = arith.index_cast %parallel_loop3A_244 : i32 to index
      %parallel_loop3A_275 = arith.constant 48 : index
      %parallel_loop3A_276 = tpu.vector_load %arg7[%parallel_loop3A_274, %parallel_loop3A_275] {strides = array<i32>} : memref<256x128xf32, #tpu.memory_space<vmem>>, vector<16xf32>,
      %parallel_loop3A_277 = arith.constant 6.553700e+04 : f32
      %parallel_loop3A_278 = vector.broadcast %parallel_loop3A_277 : f32 to vector<16xf32>
      %parallel_loop3A_279 = arith.mulf %parallel_loop3A_276, %parallel_loop3A_278 : vector<16xf32>
      %parallel_loop3A_280 = arith.subf %parallel_loop3A_279, %parallel_loop3A_276 : vector<16xf32>
      %parallel_loop3A_281 = arith.subf %parallel_loop3A_279, %parallel_loop3A_280 : vector<16xf32>
      %parallel_loop3A_282 = arith.mulf %parallel_loop3A_281, %sub3A_97 : vector<16xf32>
      %parallel_loop3A_283 = arith.addf %parallel_loop3A_273, %parallel_loop3A_282 : vector<16xf32>
      %parallel_loop3A_284 = arith.index_cast %parallel_loop3A_244 : i32 to index
      %parallel_loop3A_285 = arith.constant 64 : index
      %parallel_loop3A_286 = tpu.vector_load %arg7[%parallel_loop3A_284, %parallel_loop3A_285] {strides = array<i32>} : memref<256x128xf32, #tpu.memory_space<vmem>>, vector<16xf32>,
      %parallel_loop3A_287 = arith.constant 6.553700e+04 : f32
      %parallel_loop3A_288 = vector.broadcast %parallel_loop3A_287 : f32 to vector<16xf32>
      %parallel_loop3A_289 = arith.mulf %parallel_loop3A_286, %parallel_loop3A_288 : vector<16xf32>
      %parallel_loop3A_290 = arith.subf %parallel_loop3A_289, %parallel_loop3A_286 : vector<16xf32>
      %parallel_loop3A_291 = arith.subf %parallel_loop3A_289, %parallel_loop3A_290 : vector<16xf32>
      %parallel_loop3A_292 = arith.mulf %parallel_loop3A_291, %sub3A_119 : vector<16xf32>
      %parallel_loop3A_293 = arith.addf %parallel_loop3A_283, %parallel_loop3A_292 : vector<16xf32>
      %parallel_loop3A_294 = arith.index_cast %parallel_loop3A_244 : i32 to index
      %parallel_loop3A_295 = arith.constant 80 : index
      %parallel_loop3A_296 = tpu.vector_load %arg7[%parallel_loop3A_294, %parallel_loop3A_295] {strides = array<i32>} : memref<256x128xf32, #tpu.memory_space<vmem>>, vector<16xf32>,
      %parallel_loop3A_297 = arith.constant 6.553700e+04 : f32
      %parallel_loop3A_298 = vector.broadcast %parallel_loop3A_297 : f32 to vector<16xf32>
      %parallel_loop3A_299 = arith.mulf %parallel_loop3A_296, %parallel_loop3A_298 : vector<16xf32>
      %parallel_loop3A_300 = arith.subf %parallel_loop3A_299, %parallel_loop3A_296 : vector<16xf32>
      %parallel_loop3A_301 = arith.subf %parallel_loop3A_299, %parallel_loop3A_300 : vector<16xf32>
      %parallel_loop3A_302 = arith.mulf %parallel_loop3A_301, %sub3A_141 : vector<16xf32>
      %parallel_loop3A_303 = arith.addf %parallel_loop3A_293, %parallel_loop3A_302 : vector<16xf32>
      %parallel_loop3A_304 = arith.index_cast %parallel_loop3A_244 : i32 to index
      %parallel_loop3A_305 = arith.constant 96 : index
      %parallel_loop3A_306 = tpu.vector_load %arg7[%parallel_loop3A_304, %parallel_loop3A_305] {strides = array<i32>} : memref<256x128xf32, #tpu.memory_space<vmem>>, vector<16xf32>,
      %parallel_loop3A_307 = arith.constant 6.553700e+04 : f32
      %parallel_loop3A_308 = vector.broadcast %parallel_loop3A_307 : f32 to vector<16xf32>
      %parallel_loop3A_309 = arith.mulf %parallel_loop3A_306, %parallel_loop3A_308 : vector<16xf32>
      %parallel_loop3A_310 = arith.subf %parallel_loop3A_309, %parallel_loop3A_306 : vector<16xf32>
      %parallel_loop3A_311 = arith.subf %parallel_loop3A_309, %parallel_loop3A_310 : vector<16xf32>
      %parallel_loop3A_312 = arith.mulf %parallel_loop3A_311, %sub3A_163 : vector<16xf32>
      %parallel_loop3A_313 = arith.addf %parallel_loop3A_303, %parallel_loop3A_312 : vector<16xf32>
      %parallel_loop3A_314 = arith.index_cast %parallel_loop3A_244 : i32 to index
      %parallel_loop3A_315 = arith.constant 112 : index
      %parallel_loop3A_316 = tpu.vector_load %arg7[%parallel_loop3A_314, %parallel_loop3A_315] {strides = array<i32>} : memref<256x128xf32, #tpu.memory_space<vmem>>, vector<16xf32>,
      %parallel_loop3A_317 = arith.constant 6.553700e+04 : f32
      %parallel_loop3A_318 = vector.broadcast %parallel_loop3A_317 : f32 to vector<16xf32>
      %parallel_loop3A_319 = arith.mulf %parallel_loop3A_316, %parallel_loop3A_318 : vector<16xf32>
      %parallel_loop3A_320 = arith.subf %parallel_loop3A_319, %parallel_loop3A_316 : vector<16xf32>
      %parallel_loop3A_321 = arith.subf %parallel_loop3A_319, %parallel_loop3A_320 : vector<16xf32>
      %parallel_loop3A_322 = arith.mulf %parallel_loop3A_321, %sub3A_185 : vector<16xf32>
      %parallel_loop3A_323 = arith.addf %parallel_loop3A_313, %parallel_loop3A_322 : vector<16xf32>
      %parallel_loop3A_324 = arith.constant 256 : i32
      %parallel_loop3A_325 = arith.addi %parallel_loop3A_324, %parallel_loop3A_244 : i32
      %parallel_loop3A_326 = vector.broadcast %parallel_loop3A_325 : i32 to vector<16xi32>
      %parallel_loop3A_327 = arith.addi %mul3A_190, %parallel_loop3A_326 : vector<16xi32>
      %parallel_loop3A_328 = arith.constant true
      %parallel_loop3A_329 = vector.broadcast %parallel_loop3A_328 : i1 to vector<16xi1>
      %parallel_loop3A_330 = tpu.scan <sum>, %parallel_loop3A_323 masked %parallel_loop3A_329 : vector<16xf32>, vector<16xi1> -> vector<16xf32>
      tpu.vector_store_idx %arg9[%parallel_loop3A_327], %parallel_loop3A_330 masked %eq3A_187 : memref<512xf32, #tpu.memory_space<vmem>>[vector<16xi32>], vector<16xf32>, vector<16xi1>
    } {sc.loop_unroll_factor = 2 : i64, sc.parallel_access}
    %and3A = arith.constant 1 : i32
    %and3A_229 = vector.broadcast %and3A : i32 to vector<16xi32>
    %and3A_230 = arith.andi %iota3A, %and3A_229 : vector<16xi32>
    %eq3A_231 = arith.constant 1 : i32
    %eq3A_232 = vector.broadcast %eq3A_231 : i32 to vector<16xi32>
    %eq3A_233 = arith.cmpi eq, %and3A_230, %eq3A_232 : vector<16xi32>
    %shift_right_arithmetic3A = arith.constant 1 : i32
    %shift_right_arithmetic3A_234 = vector.broadcast %shift_right_arithmetic3A : i32 to vector<16xi32>
    %shift_right_arithmetic3A_235 = arith.shrsi %iota3A, %shift_right_arithmetic3A_234 : vector<16xi32>
    %add3A_236 = arith.constant 8 : i32
    %add3A_237 = vector.broadcast %add3A_236 : i32 to vector<16xi32>
    %add3A_238 = arith.addi %shift_right_arithmetic3A_235, %add3A_237 : vector<16xi32>
    %parallel_loop3A_239 = arith.constant 0 : i32
    %parallel_loop3A_240 = arith.constant 512 : i32
    %parallel_loop3A_241 = arith.constant 16 : i32
    scf.for %parallel_loop3A_244 = %parallel_loop3A_239 to %parallel_loop3A_240 step %parallel_loop3A_241  : i32 {
      %parallel_loop3A_245 = arith.index_cast %parallel_loop3A_244 : i32 to index
      %parallel_loop3A_246 = tpu.vector_load %arg9[%parallel_loop3A_245] {strides = array<i32>} : memref<512xf32, #tpu.memory_space<vmem>>, vector<16xf32>,
      %parallel_loop3A_247 = math.absf %parallel_loop3A_246 : vector<16xf32>
      %parallel_loop3A_248 = arith.constant 0.000000e+00 : f32
      %parallel_loop3A_249 = vector.broadcast %parallel_loop3A_248 : f32 to vector<16xf32>
      %parallel_loop3A_250 = arith.subf %parallel_loop3A_249, %parallel_loop3A_247 : vector<16xf32>
      %parallel_loop3A_251 = math.exp %parallel_loop3A_250 : vector<16xf32>
      %parallel_loop3A_252 = arith.constant 2.000000e+00 : f32
      %parallel_loop3A_253 = vector.broadcast %parallel_loop3A_252 : f32 to vector<16xf32>
      %parallel_loop3A_254 = arith.addf %parallel_loop3A_253, %parallel_loop3A_251 : vector<16xf32>
      %parallel_loop3A_255 = arith.divf %parallel_loop3A_251, %parallel_loop3A_254 : vector<16xf32>
      %parallel_loop3A_256 = arith.mulf %parallel_loop3A_255, %parallel_loop3A_255 : vector<16xf32>
      %parallel_loop3A_257 = arith.constant 0.111111112 : f32
      %parallel_loop3A_258 = vector.broadcast %parallel_loop3A_257 : f32 to vector<16xf32>
      %parallel_loop3A_259 = arith.mulf %parallel_loop3A_256, %parallel_loop3A_258 : vector<16xf32>
      %parallel_loop3A_260 = arith.constant 0.142857149 : f32
      %parallel_loop3A_261 = vector.broadcast %parallel_loop3A_260 : f32 to vector<16xf32>
      %parallel_loop3A_262 = arith.addf %parallel_loop3A_261, %parallel_loop3A_259 : vector<16xf32>
      %parallel_loop3A_263 = arith.mulf %parallel_loop3A_256, %parallel_loop3A_262 : vector<16xf32>
      %parallel_loop3A_264 = arith.constant 2.000000e-01 : f32
      %parallel_loop3A_265 = vector.broadcast %parallel_loop3A_264 : f32 to vector<16xf32>
      %parallel_loop3A_266 = arith.addf %parallel_loop3A_265, %parallel_loop3A_263 : vector<16xf32>
      %parallel_loop3A_267 = arith.mulf %parallel_loop3A_256, %parallel_loop3A_266 : vector<16xf32>
      %parallel_loop3A_268 = arith.constant 0.333333343 : f32
      %parallel_loop3A_269 = vector.broadcast %parallel_loop3A_268 : f32 to vector<16xf32>
      %parallel_loop3A_270 = arith.addf %parallel_loop3A_269, %parallel_loop3A_267 : vector<16xf32>
      %parallel_loop3A_271 = arith.mulf %parallel_loop3A_256, %parallel_loop3A_270 : vector<16xf32>
      %parallel_loop3A_272 = arith.constant 1.000000e+00 : f32
      %parallel_loop3A_273 = vector.broadcast %parallel_loop3A_272 : f32 to vector<16xf32>
      %parallel_loop3A_274 = arith.addf %parallel_loop3A_273, %parallel_loop3A_271 : vector<16xf32>
      %parallel_loop3A_275 = arith.constant -2.000000e+00 : f32
      %parallel_loop3A_276 = vector.broadcast %parallel_loop3A_275 : f32 to vector<16xf32>
      %parallel_loop3A_277 = arith.mulf %parallel_loop3A_276, %parallel_loop3A_255 : vector<16xf32>
      %parallel_loop3A_278 = arith.mulf %parallel_loop3A_277, %parallel_loop3A_274 : vector<16xf32>
      %parallel_loop3A_279 = arith.index_cast %parallel_loop3A_244 : i32 to index
      %parallel_loop3A_280 = tpu.vector_load %arg10[%parallel_loop3A_279] {strides = array<i32>} : memref<512xf32, #tpu.memory_space<vmem>>, vector<16xf32>,
      tpu.vector_store %arg10[%parallel_loop3A_279], %parallel_loop3A_278 {strides = array<i32>} : memref<512xf32, #tpu.memory_space<vmem>>, vector<16xf32>,
      %parallel_loop3A_281 = arith.constant 16 : i32
      %parallel_loop3A_282 = arith.constant 0 : i32
      %parallel_loop3A_283 = arith.cmpi eq, %parallel_loop3A_281, %parallel_loop3A_282 : i32
      %parallel_loop3A_284 = arith.constant 1 : i32
      %parallel_loop3A_285 = arith.select %parallel_loop3A_283, %parallel_loop3A_284, %parallel_loop3A_281 : i32
      %parallel_loop3A_286 = vector.broadcast %parallel_loop3A_285 : i32 to vector<16xi32>
      %parallel_loop3A_287 = arith.remsi %shift_right_arithmetic3A_235, %parallel_loop3A_286 : vector<16xi32>
      %parallel_loop3A_288 = arith.constant 0 : i32
      %parallel_loop3A_289 = vector.broadcast %parallel_loop3A_288 : i32 to vector<16xi32>
      %parallel_loop3A_290 = arith.cmpi ne, %parallel_loop3A_287, %parallel_loop3A_289 : vector<16xi32>
      %parallel_loop3A_291 = arith.constant 0 : i32
      %parallel_loop3A_292 = vector.broadcast %parallel_loop3A_291 : i32 to vector<16xi32>
      %parallel_loop3A_293 = arith.cmpi slt, %parallel_loop3A_287, %parallel_loop3A_292 : vector<16xi32>
      %parallel_loop3A_294 = arith.constant 0 : i32
      %parallel_loop3A_295 = arith.cmpi slt, %parallel_loop3A_285, %parallel_loop3A_294 : i32
      %parallel_loop3A_296 = vector.broadcast %parallel_loop3A_295 : i1 to vector<16xi1>
      %parallel_loop3A_297 = vector.broadcast %parallel_loop3A_296 : vector<16xi1> to vector<16xi1>
      %parallel_loop3A_298 = arith.xori %parallel_loop3A_293, %parallel_loop3A_297 : vector<16xi1>
      %parallel_loop3A_299 = arith.andi %parallel_loop3A_298, %parallel_loop3A_290 : vector<16xi1>
      %parallel_loop3A_300 = vector.broadcast %parallel_loop3A_285 : i32 to vector<16xi32>
      %parallel_loop3A_301 = arith.addi %parallel_loop3A_287, %parallel_loop3A_300 : vector<16xi32>
      %parallel_loop3A_302 = arith.select %parallel_loop3A_299, %parallel_loop3A_301, %parallel_loop3A_287 : vector<16xi1>, vector<16xi32>
      %parallel_loop3A_303 = vector.shape_cast %parallel_loop3A_302 : vector<16xi32> to vector<16x1xi32>
      %parallel_loop3A_304 = vector.shape_cast %parallel_loop3A_303 : vector<16x1xi32> to vector<16xi32>
      %parallel_loop3A_305 = tpu.dynamic_gather %parallel_loop3A_246[%parallel_loop3A_304] in [0] : vector<16xf32>, vector<16xi32> -> vector<16xf32>
      %parallel_loop3A_306 = arith.constant 16 : i32
      %parallel_loop3A_307 = arith.constant 0 : i32
      %parallel_loop3A_308 = arith.cmpi eq, %parallel_loop3A_306, %parallel_loop3A_307 : i32
      %parallel_loop3A_309 = arith.constant 1 : i32
      %parallel_loop3A_310 = arith.select %parallel_loop3A_308, %parallel_loop3A_309, %parallel_loop3A_306 : i32
      %parallel_loop3A_311 = vector.broadcast %parallel_loop3A_310 : i32 to vector<16xi32>
      %parallel_loop3A_312 = arith.remsi %add3A_238, %parallel_loop3A_311 : vector<16xi32>
      %parallel_loop3A_313 = arith.constant 0 : i32
      %parallel_loop3A_314 = vector.broadcast %parallel_loop3A_313 : i32 to vector<16xi32>
      %parallel_loop3A_315 = arith.cmpi ne, %parallel_loop3A_312, %parallel_loop3A_314 : vector<16xi32>
      %parallel_loop3A_316 = arith.constant 0 : i32
      %parallel_loop3A_317 = vector.broadcast %parallel_loop3A_316 : i32 to vector<16xi32>
      %parallel_loop3A_318 = arith.cmpi slt, %parallel_loop3A_312, %parallel_loop3A_317 : vector<16xi32>
      %parallel_loop3A_319 = arith.constant 0 : i32
      %parallel_loop3A_320 = arith.cmpi slt, %parallel_loop3A_310, %parallel_loop3A_319 : i32
      %parallel_loop3A_321 = vector.broadcast %parallel_loop3A_320 : i1 to vector<16xi1>
      %parallel_loop3A_322 = vector.broadcast %parallel_loop3A_321 : vector<16xi1> to vector<16xi1>
      %parallel_loop3A_323 = arith.xori %parallel_loop3A_318, %parallel_loop3A_322 : vector<16xi1>
      %parallel_loop3A_324 = arith.andi %parallel_loop3A_323, %parallel_loop3A_315 : vector<16xi1>
      %parallel_loop3A_325 = vector.broadcast %parallel_loop3A_310 : i32 to vector<16xi32>
      %parallel_loop3A_326 = arith.addi %parallel_loop3A_312, %parallel_loop3A_325 : vector<16xi32>
      %parallel_loop3A_327 = arith.select %parallel_loop3A_324, %parallel_loop3A_326, %parallel_loop3A_312 : vector<16xi1>, vector<16xi32>
      %parallel_loop3A_328 = vector.shape_cast %parallel_loop3A_327 : vector<16xi32> to vector<16x1xi32>
      %parallel_loop3A_329 = vector.shape_cast %parallel_loop3A_328 : vector<16x1xi32> to vector<16xi32>
      %parallel_loop3A_330 = tpu.dynamic_gather %parallel_loop3A_246[%parallel_loop3A_329] in [0] : vector<16xf32>, vector<16xi32> -> vector<16xf32>
      %parallel_loop3A_331 = arith.constant 0.000000e+00 : f32
      %parallel_loop3A_332 = vector.broadcast %parallel_loop3A_331 : f32 to vector<16xf32>
      %parallel_loop3A_333 = arith.cmpf ogt, %parallel_loop3A_305, %parallel_loop3A_332 : vector<16xf32>
      %parallel_loop3A_334 = arith.xori %eq3A_233, %parallel_loop3A_333 : vector<16xi1>
      %parallel_loop3A_335 = arith.constant dense<true> : vector<16xi1>
      %parallel_loop3A_336 = arith.xori %parallel_loop3A_334, %parallel_loop3A_335 : vector<16xi1>
      %parallel_loop3A_337 = arith.constant 1.000000e+00 : f32
      %parallel_loop3A_338 = arith.constant 0.000000e+00 : f32
      %parallel_loop3A_339 = vector.broadcast %parallel_loop3A_337 : f32 to vector<16xf32>
      %parallel_loop3A_340 = vector.broadcast %parallel_loop3A_338 : f32 to vector<16xf32>
      %parallel_loop3A_341 = arith.select %parallel_loop3A_336, %parallel_loop3A_339, %parallel_loop3A_340 : vector<16xi1>, vector<16xf32>
      %parallel_loop3A_342 = arith.constant 2 : i32
      %parallel_loop3A_343 = arith.muli %parallel_loop3A_342, %parallel_loop3A_244 : i32
      %parallel_loop3A_344 = arith.index_cast %parallel_loop3A_343 : i32 to index
      %parallel_loop3A_345 = tpu.vector_load %arg11[%parallel_loop3A_344] {strides = array<i32>} : memref<1024xf32, #tpu.memory_space<vmem>>, vector<16xf32>,
      tpu.vector_store %arg11[%parallel_loop3A_344], %parallel_loop3A_341 {strides = array<i32>} : memref<1024xf32, #tpu.memory_space<vmem>>, vector<16xf32>,
      %parallel_loop3A_346 = arith.constant 0.000000e+00 : f32
      %parallel_loop3A_347 = vector.broadcast %parallel_loop3A_346 : f32 to vector<16xf32>
      %parallel_loop3A_348 = arith.cmpf ogt, %parallel_loop3A_330, %parallel_loop3A_347 : vector<16xf32>
      %parallel_loop3A_349 = arith.xori %eq3A_233, %parallel_loop3A_348 : vector<16xi1>
      %parallel_loop3A_350 = arith.constant dense<true> : vector<16xi1>
      %parallel_loop3A_351 = arith.xori %parallel_loop3A_349, %parallel_loop3A_350 : vector<16xi1>
      %parallel_loop3A_352 = arith.constant 1.000000e+00 : f32
      %parallel_loop3A_353 = arith.constant 0.000000e+00 : f32
      %parallel_loop3A_354 = vector.broadcast %parallel_loop3A_352 : f32 to vector<16xf32>
      %parallel_loop3A_355 = vector.broadcast %parallel_loop3A_353 : f32 to vector<16xf32>
      %parallel_loop3A_356 = arith.select %parallel_loop3A_351, %parallel_loop3A_354, %parallel_loop3A_355 : vector<16xi1>, vector<16xf32>
      %parallel_loop3A_357 = arith.constant 2 : i32
      %parallel_loop3A_358 = arith.muli %parallel_loop3A_357, %parallel_loop3A_244 : i32
      %parallel_loop3A_359 = arith.constant 16 : i32
      %parallel_loop3A_360 = arith.addi %parallel_loop3A_358, %parallel_loop3A_359 : i32
      %parallel_loop3A_361 = arith.index_cast %parallel_loop3A_360 : i32 to index
      %parallel_loop3A_362 = tpu.vector_load %arg11[%parallel_loop3A_361] {strides = array<i32>} : memref<1024xf32, #tpu.memory_space<vmem>>, vector<16xf32>,
      tpu.vector_store %arg11[%parallel_loop3A_361], %parallel_loop3A_356 {strides = array<i32>} : memref<1024xf32, #tpu.memory_space<vmem>>, vector<16xf32>,
    } {sc.loop_unroll_factor = 1 : i64, sc.parallel_access}
    %mul3A_242 = arith.constant 2 : i32
    %mul3A_243 = arith.muli %mul3A_242, %mul3A_2 : i32
    "tpu.region"() ({
      %run_scoped3A = tpu.sem_alloc : memref<!tpu.dma_semaphore, #tpu.memory_space<semaphore_mem>>
      %dma_start3A_244 = tpu.memref_slice %arg4[%mul3A_243] : memref<32768xf32, #tpu.memory_space<hbm>> -> memref<1024xf32, #tpu.memory_space<hbm>>
      %dma_start3A_245 = tpu.memref_slice %arg4[%mul3A_243] : memref<32768xf32, #tpu.memory_space<hbm>> -> memref<1024xf32, #tpu.memory_space<hbm>>
      tpu.enqueue_dma source(%arg11 : memref<1024xf32, #tpu.memory_space<vmem>>) target(%dma_start3A_245 : memref<1024xf32, #tpu.memory_space<hbm>>) target_semaphore(%run_scoped3A : memref<!tpu.dma_semaphore, #tpu.memory_space<semaphore_mem>>)
      %dma_wait3A_246 = tpu.memref_slice %arg4[%mul3A_243] : memref<32768xf32, #tpu.memory_space<hbm>> -> memref<1024xf32, #tpu.memory_space<hbm>>
      %dma_wait3A_247 = tpu.memref_slice %arg4[%mul3A_243] : memref<32768xf32, #tpu.memory_space<hbm>> -> memref<1024xf32, #tpu.memory_space<hbm>>
      tpu.wait_dma2 semaphore(%run_scoped3A : memref<!tpu.dma_semaphore, #tpu.memory_space<semaphore_mem>>) src(%arg11 : memref<1024xf32, #tpu.memory_space<vmem>>) dst(%dma_wait3A_247 : memref<1024xf32, #tpu.memory_space<hbm>>)
      tpu.yield
    }) : () -> ()
    "tpu.region"() ({
      %run_scoped3A = tpu.sem_alloc : memref<!tpu.dma_semaphore, #tpu.memory_space<semaphore_mem>>
      %dma_start3A_244 = tpu.memref_slice %arg5[%mul3A_2] : memref<16384xf32, #tpu.memory_space<hbm>> -> memref<512xf32, #tpu.memory_space<hbm>>
      %dma_start3A_245 = tpu.memref_slice %arg5[%mul3A_2] : memref<16384xf32, #tpu.memory_space<hbm>> -> memref<512xf32, #tpu.memory_space<hbm>>
      tpu.enqueue_dma source(%arg10 : memref<512xf32, #tpu.memory_space<vmem>>) target(%dma_start3A_245 : memref<512xf32, #tpu.memory_space<hbm>>) target_semaphore(%run_scoped3A : memref<!tpu.dma_semaphore, #tpu.memory_space<semaphore_mem>>)
      %dma_wait3A_246 = tpu.memref_slice %arg5[%mul3A_2] : memref<16384xf32, #tpu.memory_space<hbm>> -> memref<512xf32, #tpu.memory_space<hbm>>
      %dma_wait3A_247 = tpu.memref_slice %arg5[%mul3A_2] : memref<16384xf32, #tpu.memory_space<hbm>> -> memref<512xf32, #tpu.memory_space<hbm>>
      tpu.wait_dma2 semaphore(%run_scoped3A : memref<!tpu.dma_semaphore, #tpu.memory_space<semaphore_mem>>) src(%arg10 : memref<512xf32, #tpu.memory_space<vmem>>) dst(%dma_wait3A_247 : memref<512xf32, #tpu.memory_space<hbm>>)
      tpu.yield
    }) : () -> ()
    return
  }
}

</mosaic_0001>

<sc_bundles>
// kernel: _run.3.cloned.1.call-start
scs
__scs_entry_jumppad:
0x0: {  	(pc) =	sbr.rel $0x88, $3  }
0x1: {  	(tag) =	ssettag $0x0;
	lr =	simm.s32 $0x1  }
0x2: {  	[smem:$0x3F9F] =	sst lr;
	_ =	strace $0xD0000000  }
0x3: {  	_ = 	snop  }
0x4: {  	_ = 	snop  }
0x5: {  	_ = 	snop  }
0x6: {  	_ = 	snop  }
0x7: {  	_ = 	snop  }
__scs_overlays_trampoline_lowered:
0x8: {  	[smem:$0x3FAE] =	sst s0  }
0x9: {  	[smem:$0x3FAF] =	sst s1  }
0xa: {  	[smem:$0x3FB0] =	sst s2  }
0xb: {  	[smem:$0x3FB1] =	sst s3  }
0xc: {  	[smem:$0x3FB2] =	sst s4  }
0xd: {  	[smem:$0x3FB3] =	sst s5  }
0xe: {  	[smem:$0x3FB4] =	sst s6  }
0xf: {  	[smem:$0x3FB5] =	sst s7  }
0x10: {  	[smem:$0x3FB6] =	sst s8  }
0x11: {  	[smem:$0x3FB7] =	sst s9;
	s0 =	simm.s32 @!p0 $0x0  }
0x12: {  	s1 =	sld [smem:$0x3F9D];
	s0 =	simm.s32 @p0 $0x1  }
0x13: {  	[smem:$0x3FB8] =	sst s0;
	s0 =	simm.s32 @!p1 $0x0  }
0x14: {  	s2 =	sld [smem:$0x3F9C];
	s0 =	simm.s32 @p1 $0x1  }
0x15: {  	[smem:$0x3FB9] =	sst s0;
	s0 =	simm.s32 @!p2 $0x0  }
0x16: {  	s3 =	sld [smem:$0x3FDB];
	s0 =	simm.s32 @p2 $0x1  }
0x17: {  	s4 =	simm.s32 $0x1BF5;
	[smem:$0x3FBB] =	sst s0  }
0x18: {  	s0 =	sld [smem:$0x3F9E];
	_ =	swait.ge [sflag:s4], $0x0  }
0x19: {  	s7 =	sld [smem:$0x3F9F]  }
0x1a: {  	s8 =	sadd.s32 $0xFFFFE003, lr  }
0x1b: {  	s9 =	sadd.s32 $0xFFFFFEF7, lr;
	s5 =	simm.s32 $0xFFFFFFFF;
	p2 =	slt.u32 s8, $0xFFFFF086  }
0x1c: {  	p1 =	slt.u32 s9, $0xF7A;
	s5 =	simm.s32 @!p2 $0x0  }
0x1d: {  	s5 =	simm.s32 @p1 $0x1;
	p0 =	seq.s32 s7, s2  }
0x1e: {  	s7 =	smul.u32 @!p0 $0xF7A, s2;
	p2 =	seq.s32 @!p0 s5, $0x0  }
0x1f: {  	s9 =	smul.u32 $0xF7A, s1;
	s8 =	simm.s32 @!p0 $0x1BF5;
	p2 =	por !p2, p0  }
0x20: {  	[sflag:s8] =	ssyncset.s32 @!p0 $0xFFFFF086;
	s6 =	sadd.s32 @!p0 s3, s7;
	s7 =	simm.s32 @!p0 $0x108  }
0x21: {  	s3 =	sadd.s32 s3, s9;
	s6 =	sadd.s32 @!p0 $0x88, s6;
	s7 =	simm.s32 @p2 $0x1082  }
0x22: {  	[simem:s7], [sflag:s8] =	dma.local @!p0 [hbm:s6], $0xF7A  }
0x23: {  	s9 =	sor.u32 $0xD0000000, s2;
	s6 =	simm.s32 $0x108;
	_ =	swait.ge @!p0 [sflag:s8], $0x0  }
0x24: {  	s3 =	sadd.s32 $0x88, s3;
	s6 =	simm.s32 @!p1 $0x1082;
	[sflag:s4] =	ssyncset.s32 $0xFFFFF086  }
0x25: {  	[simem:s6], [sflag:s4] =	dma.local [hbm:s3], $0xF7A  }
0x26: {  	[smem:$0x3F9F] =	sst s1;
	(tag) =	ssettag s2;
	_ =	strace s9  }
0x27: {  	s1 =	sld [smem:$0x3FAF]  }
0x28: {  	s2 =	sld [smem:$0x3FB0]  }
0x29: {  	s4 =	sld [smem:$0x3FB2]  }
0x2a: {  	p0 =	seq.s32 s5, $0x0;
	s5 =	sld [smem:$0x3FB3]  }
0x2b: {  	s6 =	sld [smem:$0x3FB4]  }
0x2c: {  	s7 =	sld [smem:$0x3FB5]  }
0x2d: {  	s3 =	simm.s32 $0x108;
	s8 =	sld [smem:$0x3FB6]  }
0x2e: {  	s3 =	simm.s32 @!p0 $0x1082;
	s9 =	sld [smem:$0x3FB7]  }
0x2f: {  	lr =	sadd.s32 s0, s3;
	s0 =	sld [smem:$0x3FAE]  }
0x30: {  	s3 =	sld [smem:$0x3FB1]  }
0x31: {  	[smem:$0x3FBA] =	sst s10  }
0x32: {  	s10 =	sld [smem:$0x3FB8];
	_ =	sdelay $0x3  }
0x33: {  	p0 =	seq.s32 s10, $0x1;
	s10 =	sld [smem:$0x3FBA];
	_ =	sdelay $0x3  }
0x34: {  	[smem:$0x3FBA] =	sst s10  }
0x35: {  	s10 =	sld [smem:$0x3FB9];
	_ =	sdelay $0x3  }
0x36: {  	p1 =	seq.s32 s10, $0x1;
	s10 =	sld [smem:$0x3FBA];
	_ =	sdelay $0x3  }
0x37: {  	[smem:$0x3FBA] =	sst s10  }
0x38: {  	s10 =	sld [smem:$0x3FBB]  }
0x39: {  	_ = 	snop;
	(pc) =	sbr.ind lr, $3  }
0x3a: {  	_ = 	snop  }
0x3b: {  	_ = 	snop  }
0x3c: {  	p2 =	seq.s32 s10, $0x1;
	s10 =	sld [smem:$0x3FBA]  }
0x3d: {  	_ =	shalt  }
0x3e: {  	_ =	shalt  }
0x3f: {  	_ =	shalt  }
0x40: {  	_ =	shalt  }
0x41: {  	_ =	shalt  }
0x42: {  	_ =	shalt  }
0x43: {  	_ =	shalt  }
0x44: {  	_ =	shalt  }
0x45: {  	_ =	shalt  }
0x46: {  	_ =	shalt  }
0x47: {  	_ =	shalt  }
0x48: {  	_ =	shalt  }
0x49: {  	_ =	shalt  }
0x4a: {  	_ =	shalt  }
0x4b: {  	_ =	shalt  }
0x4c: {  	_ =	shalt  }
0x4d: {  	_ =	shalt  }
0x4e: {  	_ =	shalt  }
0x4f: {  	_ =	shalt  }
0x50: {  	_ =	shalt  }
0x51: {  	_ =	shalt  }
0x52: {  	_ =	shalt  }
0x53: {  	_ =	shalt  }
0x54: {  	_ =	shalt  }
0x55: {  	_ =	shalt  }
0x56: {  	_ =	shalt  }
0x57: {  	_ =	shalt  }
0x58: {  	_ =	shalt  }
0x59: {  	_ =	shalt  }
0x5a: {  	_ =	shalt  }
0x5b: {  	_ =	shalt  }
0x5c: {  	_ =	shalt  }
0x5d: {  	_ =	shalt  }
0x5e: {  	_ =	shalt  }
0x5f: {  	_ =	shalt  }
0x60: {  	_ =	shalt  }
0x61: {  	_ =	shalt  }
0x62: {  	_ =	shalt  }
0x63: {  	_ =	shalt  }
0x64: {  	_ =	shalt  }
0x65: {  	_ =	shalt  }
0x66: {  	_ =	shalt  }
0x67: {  	_ =	shalt  }
0x68: {  	_ =	shalt  }
0x69: {  	_ =	shalt  }
0x6a: {  	_ =	shalt  }
0x6b: {  	_ =	shalt  }
0x6c: {  	_ =	shalt  }
0x6d: {  	_ =	shalt  }
0x6e: {  	_ =	shalt  }
0x6f: {  	_ =	shalt  }
0x70: {  	_ =	shalt  }
0x71: {  	_ =	shalt  }
0x72: {  	_ =	shalt  }
0x73: {  	_ =	shalt  }
0x74: {  	_ =	shalt  }
0x75: {  	_ =	shalt  }
0x76: {  	_ =	shalt  }
0x77: {  	_ =	shalt  }
0x78: {  	_ =	shalt  }
0x79: {  	_ =	shalt  }
0x7a: {  	_ =	shalt  }
0x7b: {  	_ =	shalt  }
0x7c: {  	_ =	shalt  }
0x7d: {  	_ =	shalt  }
0x7e: {  	_ =	shalt  }
0x7f: {  	_ =	shalt  }
0x80: {  	_ =	shalt  }
0x81: {  	_ =	shalt  }
0x82: {  	_ =	shalt  }
0x83: {  	_ =	shalt  }
0x84: {  	_ =	shalt  }
0x85: {  	_ =	shalt  }
0x86: {  	_ =	shalt  }
0x87: {  	_ =	shalt  }
.Lfunc_end0:
.L_simem_size_0:
called_computation_lowered:
.L_overlay_start_0:
0x88: {  	s2 =	sld [smem:$0x3FD9]  }
0x89: {  	s3 =	sld [smem:$0x3FFE];
	_ =	sdelay $0x1  }
0x8a: {  	s1 =	srdreg.scid  }
0x8b: {  	s0 =	sand.u32 $0x1, s1  }
0x8c: {  	s14 =	sshll.u32 s0, $0xA;
	s2 =	sadd.s32 s3, s2  }
0x8d: {  	s2 =	sadd.s32 s2, s14  }
0x8e: {  	[smem:$0x3FC6] =	sst s2  }
0x8f: {  	_ = 	snop  }
0x90: {  	s2 =	sld [smem:$0x3FD0];
	_ =	sdelay $0x2  }
0x91: {  	s4 =	simm.s32 $0xA;
	s5 =	simm.s32 $0x10;
	s15 =	sld [smem:$0x3FC9]  }
0x92: {  	[smem:s5], [sflag:s4] =	dma.local [hbm:s2], $0x1  }
0x93: {  	_ =	swait.eq [sflag:s4], $0x1  }
0x94: {  	[sflag:s4] =	ssyncset.done $0x0  }
0x95: {  	s16 =	sld [smem:$0x10];
	[sflag:s4] =	ssyncadd.s32 $0xFFFFFFFF  }
0x96: {  	s17 =	sld [smem:$0x11];
	(tm) =	ssettm $0x1  }
0x97: {  	s18 =	sld [smem:$0x3FFB];
	_ =	sdelay $0x3  }
0x98: {  	_ =	strace s18  }
0x99: {  	s5 =	sld [smem:$0x3FFC];
	_ =	sdelay $0x3  }
0x9a: {  	_ =	strace s5  }
0x9b: {  	s5 =	sld [smem:$0x3FFD];
	_ =	sdelay $0x3  }
0x9c: {  	_ =	strace s5  }
0x9d: {  	_ =	strace $0x8FFFFFFF  }
0x9e: {  	s19 =	sld [smem:$0x3FDB];
	_ =	sdelay $0x1  }
0x9f: {  	s6 =	simm.s32 $_scs_section_size  }
0xa0: {  	s7 =	simm.s32 $_size__tile_overlayer_lowered;
	s8 =	simm.s32 $_tile_overlayer_lowered  }
0xa1: {  	s22 =	simm.s32 $0x1BFF;
	s21 =	sshll.u32 s8, $0x1;
	s5 =	sadd.s32 s6, s19  }
0xa2: {  	s9 =	simm.s32 $0x0;
	s20 =	sshll.u32 s7, $0x1;
	s7 =	sadd.s32 s21, s5  }
0xa3: {  	[timem:s9], [sflag:s22] =	dma.local [hbm:s7], s20  }
0xa4: {  	_ =	swait.ge [sflag:s22], s20  }
0xa5: {  	s6 =	ssub.s32 $0x0, s20;
	[sflag:s22] =	ssyncset.done $0x0  }
0xa6: {  	[sflag:s22] =	ssyncadd.s32 s6;
	_ =	sdelay $0x1  }
0xa7: {  	s23 =	simm.s32 $0x1B8B  }
0xa8: {  	_ =	swait.ge [sflag:s23], $0x1  }
0xa9: {  	[sflag:s23] =	ssyncset.done $0x0  }
0xaa: {  	s25 =	simm.s32 $0x1B8E;
	s24 =	sld [smem:$0x3FFE];
	[sflag:s23] =	ssyncadd.s32 $0xFFFFFFFF  }
0xab: {  	s26 =	simm.s32 $execute0_lowered;
	[smem:$0x3FD2] =	sst s25  }
0xac: {  	s7 =	sshll.u32 s26, $0x1;
	_ =	strace $0x80000046;
	[dreg:$0x1] =	wrdreg $0xFFFFFFFF  }
0xad: {  	s28 =	simm.s32 $_size_execute0_lowered;
	s5 =	sadd.s32 s5, s7;
	[dreg:$0x0] =	wrdreg $0x0  }
0xae: {  	s7 =	sshll.u32 s28, $0x1;
	[dreg:$0x2] =	wrdreg s5  }
0xaf: {  	[dreg:$0x3] =	wrdreg s7  }
0xb0: {  	[dreg:$0x4] =	wrdreg $0xC0  }
0xb1: {  	_ =	task [dreg:s9], $0x5FFFF  }
0xb2: {  	[dreg:$0x1] =	wrdreg $0xFFFFFFFF  }
0xb3: {  	[dreg:$0x0] =	wrdreg $0x60  }
0xb4: {  	[dreg:$0x2] =	wrdreg s15  }
0xb5: {  	[dreg:$0x3] =	wrdreg s24  }
0xb6: {  	[dreg:$0x4] =	wrdreg s16  }
0xb7: {  	[dreg:$0x5] =	wrdreg s17  }
0xb8: {  	[dreg:$0x6] =	wrdreg $0x9  }
0xb9: {  	_ =	task.clear_ibuf [dreg:s9], $0x7FFFF;
	_ =	strace $0x90000046  }
0xba: {  	s29 =	simm.s32 $0x9;
	_ =	strace $0x80000048  }
0xbb: {  	_ =	swait.ge [sflag:s29], $0x1  }
0xbc: {  	[sflag:s29] =	ssyncadd.s32 $0xFFFFFFFF  }
0xbd: {  	_ =	strace $0x90000048  }
0xbe: {  	_ =	sfence  }
0xbf: {  	s30 =	sld [smem:$0x0];
	_ =	sdelay $0x2  }
0xc0: {  	s31 =	sshll.u32 s1, $0xD;
	s1 =	sshrl.u32 s1, $0x2  }
0xc1: {  	s3 =	sand.u32 $0x4000, s31;
	s1 =	sadd.s32 s1, s30  }
0xc2: {  	s0 =	sor.u32 s3, s0;
	s1 =	sshll.u32 s1, $0x11  }
0xc3: {  	s0 =	sor.u32 s1, s0  }
0xc4: {  	s0 =	sadd.s32 $0x8F2B, s0  }
0xc5: {  	[sflag:s0] =	ssyncadd.remote.s32 $0x1  }
0xc6: {  	_ =	sfence.sel $0xFFFF  }
0xc7: {  	[dreg:$0x0] =	wrdreg $0xFFFFFFFF;
	(pc) =	sbr.abs _section_cstart, $3  }
0xc8: {  	[dreg:$0x1] =	wrdreg $0xFFFFFFFF  }
0xc9: {  	_ =	task.clear_ibuf [dreg:s9], $0x2FFFF;
	_ =	strace $0x9FFFFFFF  }
0xca: {  	(tm) =	ssettm $0x7FFFFFFF  }
0xcb: {  	_ =	shalt  }
tec
execute0_lowered:
.L_overlay_start_1:
0x0: {  	(tag) =	ssettag $0x1  }
0x1: {  	s4 =	rddreg [dreg:$0x0]  }
0x2: {  	s3 =	rddreg [dreg:$0x1]  }
0x3: {  	s6 =	rddreg [dreg:$0x2]  }
0x4: {  	v0 =	vlaneseq.u32;
	s7 =	rddreg [dreg:$0x3]  }
0x5: {  	s0 =	rddreg [dreg:$0x4];
	vm0 =	vcmask $0xB08;
	vm1 =	vcmask $0x300;
	vm2 =	vcmask $0x3B38  }
0x6: {  	s5 =	srdreg.scid;
	s1 =	stileid.u32;
	v1 =	vmul.u32 $0x2, v0;
	vm0 =	vmor vm1, vm0;
	vm1 =	vcmask $0x1310  }
0x7: {  	s2 =	simm.s32 $0x0;
	s11 =	simm.s32 $0x8000;
	s12 =	simm.s32 $0x1;
	v17 =	vimm.f32 $0.0e+00;
	vm0 =	vmor vm0, vm1;
	vm1 =	vcmask $0x1B18  }
0x8: {  	s13 =	simm.s32 $0x10100;
	s14 =	simm.s32 $0x2;
	s15 =	simm.s32 $0x10500;
	v2 =	vor.u32 $0x1, v1;
	v3 =	vor.u32 $0x20, v1;
	v4 =	vor.u32 $0x21, v1  }
0x9: {  	s16 =	simm.s32 $0x10300;
	s17 =	simm.s32 $0x0;
	s5 =	sand.u32 $0x1, s5;
	v5 =	vor.u32 $0x40, v1;
	v6 =	vor.u32 $0x41, v1;
	v7 =	vor.u32 $0x60, v1  }
0xa: {  	s8 =	sshll.u32 s1, $0x1;
	[smem:$0x7FF] =	sst s2;
	s3 =	sadd.s32 $0x800, s3;
	v8 =	vor.u32 $0x61, v1;
	v9 =	vor.u32 $0x80, v1;
	v10 =	vor.u32 $0x81, v1  }
0xb: {  	s9 =	ssub.s32 $0x2, s5;
	s8 =	sor.u32 s5, s8;
	_ =	strace $0x80000047;
	v11 =	vor.u32 $0xA0, v1;
	vm0 =	vmor vm0, vm1;
	vm1 =	vcmask $0x2320  }
0xc: {  	s30 =	sshrl.u32 s9, $0x1;
	s10 =	sshll.u32 s8, $0xD;
	v12 =	vor.u32 $0xA1, v1;
	s31 =	sshll.u32 s8, $0x7;
	vm0 =	vmor vm0, vm1;
	vm1 =	vcmask $0x2B28  }
0xd: {  	s8 =	sshll.u32 s8, $0x6;
	v13 =	vor.u32 $0xC0, v1;
	s9 =	ssub.s32 s9, s30;
	s4 =	sadd.s32 s4, s10;
	vm0 =	vmor vm0, vm1;
	vm1 =	vcmask $0x3330  }
0xe: {  	v14 =	vor.u32 $0xC1, v1;
	v15 =	vor.u32 $0xE0, v1;
	s6 =	sadd.s32 s6, s31;
	s7 =	sadd.s32 s7, s8;
	s10 =	simm.s32 $0x3;
	vm1 =	vmor vm0, vm1  }
0xf: {  	v16 =	vor.u32 $0xE1, v1;
	s5 =	sadd.s32 $0x1000, s4;
	s8 =	smax.u32 s9, $0x1;
	s9 =	simm.s32 $0x10000;
	vm0 =	vcmask $0x3F3C;
	vm1 =	vmor vm1, vm2  }
.LBB2_1:
0x10: {  	[tilespmem:s2], [sflag:$0x1] =	stream.linear.gather [hbm4b:s4+s2], $0x8000, $0x38;
	[tilespmem:$0x10900] =	vst v63  }
0x11: {  	_ = 	snop  }
0x12: {  	[tilespmem:s9], [sflag:$0x3] =	stream.linear.gather [hbm4b:s3+s2], $0x100, $0x38;
	[tilespmem:$0x10900] =	vst v63  }
0x13: {  	_ =	swait.ge [sflag:s10], $0x100  }
0x14: {  	[sflag:s10] =	ssyncset.done $0x0  }
0x15: {  	[sflag:s10] =	ssyncadd.s32 $0xFFFFFF00  }
0x16: {  	v19 =	vld.idx.msk [tilespmem:v2+s9+$0x0], $0xffff  }
0x17: {  	v18 =	vld.idx.msk [tilespmem:v1+s9+$0x0], $0xffff  }
0x18: {  	v20 =	vld.idx.msk [tilespmem:v3+s9+$0x0], $0xffff  }
0x19: {  	v21 =	vld.idx.msk [tilespmem:v4+s9+$0x0], $0xffff;
	_ =	sdelay $0x1  }
0x1a: {  	v22 =	vmul.f32 $6.553700000e+04, v19  }
0x1b: {  	v25 =	vld.idx.msk [tilespmem:v6+s9+$0x0], $0xffff;
	v23 =	vmul.f32 $6.553700000e+04, v18  }
0x1c: {  	v24 =	vld.idx.msk [tilespmem:v5+s9+$0x0], $0xffff;
	v27 =	vmul.f32 $6.553700000e+04, v20;
	v19 =	vsub.f32 v22, v19  }
0x1d: {  	v28 =	vld.idx.msk [tilespmem:v7+s9+$0x0], $0xffff;
	v26 =	vmul.f32 $6.553700000e+04, v21;
	v18 =	vsub.f32 v23, v18  }
0x1e: {  	v20 =	vsub.f32 v27, v20;
	v19 =	vsub.f32 v22, v19;
	v22 =	vld.idx.msk [tilespmem:v8+s9+$0x0], $0xffff  }
0x1f: {  	v21 =	vsub.f32 v26, v21;
	v18 =	vsub.f32 v23, v18  }
0x20: {  	v30 =	vld.idx.msk [tilespmem:v9+s9+$0x0], $0xffff;
	v23 =	vmul.f32 $6.553700000e+04, v25;
	v20 =	vsub.f32 v27, v20  }
0x21: {  	v31 =	vld.idx.msk [tilespmem:v12+s9+$0x0], $0xffff;
	v29 =	vmul.f32 $6.553700000e+04, v24;
	v18 =	vsub.f32 v19, v18;
	v19 =	vsub.f32 v26, v21  }
0x22: {  	v27 =	vmul.f32 $6.553700000e+04, v28;
	v26 =	vld.idx.msk [tilespmem:v10+s9+$0x0], $0xffff;
	v21 =	vsub.f32 v23, v25  }
0x23: {  	v34 =	vld.idx.msk [tilespmem:v15+s9+$0x0], $0xffff;
	v24 =	vsub.f32 v29, v24;
	v19 =	vsub.f32 v19, v20;
	v20 =	vmul.f32 $6.553700000e+04, v22  }
0x24: {  	v25 =	vld.idx.msk [tilespmem:v11+s9+$0x0], $0xffff;
	v28 =	vsub.f32 v27, v28;
	v21 =	vsub.f32 v23, v21  }
0x25: {  	v23 =	vsub.f32 v29, v24;
	v24 =	vld.idx.msk [tilespmem:v13+s9+$0x0], $0xffff;
	v22 =	vsub.f32 v20, v22  }
0x26: {  	v33 =	vmul.f32 $6.553700000e+04, v30;
	v29 =	vld.idx.msk [tilespmem:v14+s9+$0x0], $0xffff  }
0x27: {  	v32 =	vmul.f32 $6.553700000e+04, v26;
	v20 =	vsub.f32 v20, v22;
	v22 =	vsub.f32 v27, v28;
	v27 =	vld.idx.msk [tilespmem:v16+s9+$0x0], $0xffff;
	[tilespmem:s11], [sflag:$0x2] =	stream.linear.gather [hbm4b:s5+s2], $0x8000, $0x38  }
0x28: {  	v21 =	vsub.f32 v21, v23;
	_ =	swait.ge [sflag:s12], $0x8000  }
0x29: {  	v26 =	vsub.f32 v32, v26;
	v28 =	vsub.f32 v33, v30;
	[sflag:s12] =	ssyncset.done $0x0  }
0x2a: {  	s18 =	simm.s32 $0x80;
	v30 =	vmul.f32 $6.553700000e+04, v25;
	v23 =	vsub.f32 v20, v22;
	v22 =	vmul.f32 $6.553700000e+04, v31;
	[sflag:s12] =	ssyncadd.s32 $0xFFFF8000  }
0x2b: {  	v20 =	vsub.f32 v32, v26;
	v26 =	vsub.f32 v33, v28;
	v53 =	vld [tilespmem:s18+$0x0]  }
0x2c: {  	v25 =	vsub.f32 v30, v25;
	v28 =	vsub.f32 v22, v31;
	v35 =	vld [tilespmem:s18+$0xFFFFFF90]  }
0x2d: {  	v20 =	vsub.f32 v20, v26;
	v26 =	vmul.f32 $6.553700000e+04, v29;
	v31 =	vmul.f32 $6.553700000e+04, v24;
	v55 =	vld [tilespmem:s18+$0xFFFFFF80]  }
0x2e: {  	v25 =	vsub.f32 v30, v25;
	v37 =	vld [tilespmem:s18+$0x40];
	v22 =	vsub.f32 v22, v28  }
0x2f: {  	v28 =	vld [tilespmem:s18+$0x10];
	v29 =	vsub.f32 v26, v29;
	v24 =	vsub.f32 v31, v24  }
0x30: {  	v54 =	vmul.f32 $6.553700000e+04, v34;
	v30 =	vld [tilespmem:s18+$0x20];
	v22 =	vsub.f32 v22, v25  }
0x31: {  	v56 =	vld [tilespmem:s18+$0x50];
	v25 =	vmul.f32 $6.553700000e+04, v27;
	v26 =	vsub.f32 v26, v29;
	v24 =	vsub.f32 v31, v24  }
0x32: {  	v29 =	vld [tilespmem:s18+$0x30];
	v31 =	vsub.f32 v54, v34;
	v38 =	vmul.f32 $6.553700000e+04, v35;
	v58 =	vmul.f32 $6.553700000e+04, v55  }
0x33: {  	v61 =	vld [tilespmem:s18+$0xFFFFFFC0];
	v39 =	vmul.f32 $6.553700000e+04, v37;
	v27 =	vsub.f32 v25, v27;
	v24 =	vsub.f32 v26, v24  }
0x34: {  	v63 =	vld [tilespmem:s18+$0xFFFFFFD0];
	v26 =	vmul.f32 $6.553700000e+04, v53;
	v36 =	vmul.f32 $6.553700000e+04, v28;
	v35 =	vsub.f32 v38, v35  }
0x35: {  	v25 =	vsub.f32 v25, v27;
	v27 =	vsub.f32 v54, v31;
	v31 =	vmul.f32 $6.553700000e+04, v30  }
0x36: {  	v44 =	vld [tilespmem:s18+$0xFFFFFFE0];
	v41 =	vmul.f32 $6.553700000e+04, v56;
	v32 =	vsub.f32 v26, v53;
	v28 =	vsub.f32 v36, v28  }
0x37: {  	v25 =	vsub.f32 v25, v27;
	v27 =	vsub.f32 v31, v30;
	v30 =	vmul.f32 $6.553700000e+04, v29  }
0x38: {  	v57 =	vld [tilespmem:s18+$0x60];
	v47 =	vmul.f32 $6.553700000e+04, v61;
	v26 =	vsub.f32 v26, v32;
	v28 =	vsub.f32 v36, v28  }
0x39: {  	v49 =	vmul.f32 $6.553700000e+04, v63;
	v37 =	vsub.f32 v39, v37;
	v29 =	vsub.f32 v30, v29  }
0x3a: {  	v40 =	vld [tilespmem:s18+$0xFFFFFFA0];
	v26 =	vmul.f32 v26, v18;
	v27 =	vsub.f32 v31, v27;
	v28 =	vmul.f32 v28, v19  }
0x3b: {  	v50 =	vmul.f32 $6.553700000e+04, v44;
	v48 =	vsub.f32 v47, v61;
	v52 =	vsub.f32 v49, v63  }
0x3c: {  	v31 =	vld [tilespmem:s18+$0xFFFFFFB0];
	v27 =	vmul.f32 v27, v21;
	v26 =	vadd.f32 v28, v26;
	v28 =	vsub.f32 v30, v29  }
0x3d: {  	v59 =	vmul.f32 $6.553700000e+04, v57;
	v53 =	vsub.f32 v50, v44;
	v30 =	vsub.f32 v41, v56  }
0x3e: {  	v26 =	vadd.f32 v27, v26;
	v27 =	vmul.f32 v28, v23;
	v28 =	vsub.f32 v39, v37  }
0x3f: {  	s31 =	simm.s32 $0x180;
	v42 =	vld [tilespmem:s18+$0x70];
	v60 =	vmul.f32 $6.553700000e+04, v40;
	v35 =	vsub.f32 v38, v35;
	v29 =	vsub.f32 v58, v55  }
0x40: {  	v63 =	vld [tilespmem:s31+$0x50];
	v26 =	vadd.f32 v27, v26;
	v27 =	vmul.f32 v28, v20;
	v28 =	vsub.f32 v41, v30  }
0x41: {  	v34 =	vsub.f32 v49, v52;
	v29 =	vsub.f32 v58, v29;
	v62 =	vmul.f32 $6.553700000e+04, v31  }
0x42: {  	v55 =	vld [tilespmem:s31+$0x10];
	v26 =	vadd.f32 v27, v26;
	v27 =	vmul.f32 v28, v22;
	v28 =	vsub.f32 v60, v40  }
0x43: {  	v32 =	vsub.f32 v59, v57;
	v46 =	vmul.f32 v35, v19;
	v31 =	vsub.f32 v62, v31  }
0x44: {  	v29 =	vmul.f32 v29, v18;
	v26 =	vadd.f32 v27, v26;
	v27 =	vsub.f32 v60, v28  }
0x45: {  	v32 =	vsub.f32 v59, v32;
	v52 =	vmul.f32 $6.553700000e+04, v63;
	v30 =	vmul.f32 $6.553700000e+04, v42;
	v28 =	vld [tilespmem:s18+$0xFFFFFFF0]  }
0x46: {  	v29 =	vadd.f32 v46, v29;
	v31 =	vsub.f32 v62, v31;
	v27 =	vmul.f32 v27, v21  }
0x47: {  	v51 =	vld [tilespmem:s31+$0x0];
	v38 =	vsub.f32 v52, v63;
	v59 =	vmul.f32 $6.553700000e+04, v55;
	v45 =	vsub.f32 v30, v42  }
0x48: {  	v43 =	vld [tilespmem:s31+$0xFFFFFFA0];
	v27 =	vadd.f32 v27, v29;
	v29 =	vmul.f32 v31, v23;
	v31 =	vsub.f32 v47, v48  }
0x49: {  	v32 =	vmul.f32 v32, v24;
	v62 =	vsub.f32 v59, v55;
	v30 =	vsub.f32 v30, v45;
	v60 =	vld [tilespmem:s31+$0x40]  }
0x4a: {  	v54 =	vmul.f32 $6.553700000e+04, v28;
	v27 =	vadd.f32 v29, v27;
	v29 =	vmul.f32 v31, v20;
	v31 =	vld [tilespmem:s31+$0x20]  }
0x4b: {  	v26 =	vadd.f32 v32, v26;
	v30 =	vmul.f32 v30, v25;
	v32 =	vsub.f32 v50, v53  }
0x4c: {  	v58 =	vmul.f32 $6.553700000e+04, v51;
	v28 =	vsub.f32 v54, v28;
	v27 =	vadd.f32 v29, v27;
	v29 =	vld [tilespmem:s31+$0x30]  }
0x4d: {  	v56 =	vld [tilespmem:s31+$0xFFFFFF90];
	v53 =	vmul.f32 $6.553700000e+04, v43;
	v26 =	vadd.f32 v30, v26;
	v30 =	vmul.f32 v34, v22  }
0x4e: {  	v49 =	vld [tilespmem:s31+$0x60];
	v32 =	vmul.f32 v32, v24;
	v50 =	vmul.f32 $6.553700000e+04, v60;
	v28 =	vsub.f32 v54, v28  }
0x4f: {  	v57 =	vld [tilespmem:s31+$0xFFFFFF80];
	v27 =	vadd.f32 v30, v27;
	v30 =	vsub.f32 v58, v51;
	v61 =	vmul.f32 $6.553700000e+04, v31  }
0x50: {  	v48 =	vsub.f32 v59, v62;
	v39 =	vsub.f32 v50, v60;
	v42 =	vmul.f32 v28, v25  }
0x51: {  	v46 =	vld [tilespmem:s31+$0xFFFFFFB0];
	v30 =	vsub.f32 v58, v30;
	v31 =	vsub.f32 v61, v31;
	v44 =	vmul.f32 $6.553700000e+04, v29  }
0x52: {  	v28 =	vmul.f32 $6.553700000e+04, v56;
	v45 =	vadd.f32 v32, v27;
	v32 =	vmul.f32 v48, v19  }
0x53: {  	v51 =	vld [tilespmem:s31+$0x70];
	v30 =	vmul.f32 v30, v18;
	v29 =	vsub.f32 v44, v29;
	v31 =	vsub.f32 v61, v31  }
0x54: {  	v54 =	vmul.f32 $6.553700000e+04, v49;
	v27 =	vmul.f32 $6.553700000e+04, v57;
	v35 =	vsub.f32 v28, v56  }
0x55: {  	v30 =	vadd.f32 v32, v30;
	v31 =	vmul.f32 v31, v21;
	v29 =	vsub.f32 v44, v29  }
0x56: {  	v34 =	vsub.f32 v27, v57;
	v57 =	vmul.f32 $6.553700000e+04, v46;
	v28 =	vsub.f32 v28, v35  }
0x57: {  	v56 =	vld [tilespmem:s31+$0xFFFFFFC0];
	v30 =	vadd.f32 v31, v30;
	v29 =	vmul.f32 v29, v23;
	v31 =	vsub.f32 v50, v39  }
0x58: {  	(xrf2) =	vadd.scan.msk.f32 $0xffff, v26;
	v55 =	vmul.f32 $6.553700000e+04, v51;
	v26 =	vsub.f32 v27, v34;
	v27 =	vsub.f32 v54, v49  }
0x59: {  	v29 =	vadd.f32 v29, v30;
	v30 =	vmul.f32 v31, v20;
	v31 =	vsub.f32 v52, v38  }
0x5a: {  	v61 =	vsub.f32 v57, v46;
	v58 =	vsub.f32 v55, v51;
	v28 =	vmul.f32 v28, v19  }
0x5b: {  	v59 =	vld [tilespmem:s31+$0xFFFFFFD0];
	v27 =	vsub.f32 v54, v27;
	v29 =	vadd.f32 v30, v29;
	v30 =	vmul.f32 v31, v22  }
0x5c: {  	v60 =	vld [tilespmem:s31+$0xFFFFFFE0];
	v26 =	vmul.f32 v26, v18;
	v62 =	vmul.f32 $6.553700000e+04, v56;
	v31 =	vsub.f32 v53, v43  }
0x5d: {  	s19 =	simm.s32 $0x1;
	v33 =	vsub.f32 v55, v58;
	v29 =	vadd.f32 v30, v29;
	v30 =	vmul.f32 v27, v24  }
0x5e: {  	v40 =	vmov s19;
	v34 =	vsub.f32 v62, v56;
	v31 =	vsub.f32 v53, v31  }
0x5f: {  	v26 =	vadd.f32 v28, v26;
	v27 =	vld [tilespmem:s31+$0xFFFFFFF0];
	v28 =	vadd.f32 v30, v29;
	v29 =	vmul.f32 v33, v25  }
0x60: {  	v32 =	vsub.f32 v57, v61;
	v36 =	vsub.f32 v62, v34;
	v63 =	vmul.f32 v31, v21  }
0x61: {  	v31 =	vmul.f32 $6.553700000e+04, v59;
	v30 =	vmul.f32 $6.553700000e+04, v60;
	v29 =	vadd.f32 v29, v28  }
0x62: {  	s21 =	simm.s32 $0x280;
	v35 =	vmul.f32 v32, v23;
	v26 =	vadd.f32 v63, v26  }
0x63: {  	s22 =	simm.s32 $0x6;
	v36 =	vmul.f32 v36, v20;
	v34 =	vsub.f32 v31, v59;
	v33 =	vsub.f32 v30, v60;
	v28, _, _ =	vpop (xrf2);
	(xrf2) =	vadd.scan.msk.f32 $0xffff, v29;
	v29 =	vld [tilespmem:s21+$0x10]  }
0x64: {  	s20 =	simm.s32 $0x0;
	s19 =	simm.s32 $0x4;
	s18 =	simm.s32 $0x2;
	v32 =	vmul.f32 $6.553700000e+04, v27;
	v35 =	vadd.f32 v35, v26;
	v26 =	vadd.f32 v42, v45;
	[tilespmem:v40+s13+$0x0] =	vst.idx.msk vm0, v28;
	v28 =	vld [tilespmem:s21+$0x0]  }
.LBB2_2:
0x65: {  	p0 =	slt.u32 s22, $0xFE;
	v37 =	vld [tilespmem:s21+$0x20];
	v31 =	vsub.f32 v31, v34;
	v30 =	vsub.f32 v30, v33  }
0x66: {  	v27 =	vsub.f32 v32, v27;
	v33 =	vld [tilespmem:s21+$0xFFFFFF90];
	v34 =	vadd.f32 v36, v35;
	v35 =	vmov s20;
	(xrf2) =	vadd.scan.msk.f32 $0xffff, v26;
	s20 =	smov.u32 s18;
	s18 =	smov.u32 s19;
	s19 =	smov.u32 s22  }
0x67: {  	v26 =	vld [tilespmem:s21+$0x30];
	v31 =	vmul.f32 v31, v22;
	v30 =	vmul.f32 v30, v24;
	v35 =	vand.u32 $0xFFFFFFFE, v35  }
0x68: {  	v27 =	vsub.f32 v32, v27;
	s23 =	sadd.s32 $0x1, s20;
	v36 =	vld [tilespmem:s21+$0xFFFFFF80];
	v32 =	vbroadcast v35, $0x0  }
0x69: {  	v35 =	vmul.f32 $6.553700000e+04, v28;
	v40 =	vmov s23;
	v38 =	vmul.f32 $6.553700000e+04, v29;
	v39 =	vld [tilespmem:s21+$0x40]  }
0x6a: {  	v31 =	vadd.f32 v31, v34;
	v43 =	vmul.f32 v27, v25;
	v41 =	vld [tilespmem:s21+$0xFFFFFFA0];
	v42 =	vmul.f32 $6.553700000e+04, v37  }
0x6b: {  	v27 =	vsub.f32 v35, v28;
	v34 =	vmul.f32 $6.553700000e+04, v33;
	v28 =	vsub.f32 v38, v29;
	v29 =	vld [tilespmem:s21+$0x50]  }
0x6c: {  	v46 =	vadd.f32 v30, v31;
	v44 =	vld [tilespmem:s21+$0xFFFFFFB0];
	v37 =	vsub.f32 v42, v37;
	v45 =	vmul.f32 $6.553700000e+04, v26  }
0x6d: {  	v27 =	vsub.f32 v35, v27;
	v30 =	vmul.f32 $6.553700000e+04, v36;
	v28 =	vsub.f32 v38, v28;
	v31 =	vld [tilespmem:s21+$0x60];
	v35, _, _ =	vpop (xrf2)  }
0x6e: {  	v33 =	vsub.f32 v34, v33;
	v38 =	vld [tilespmem:s21+$0xFFFFFFC0];
	v26 =	vsub.f32 v45, v26;
	v47 =	vmul.f32 $6.553700000e+04, v39;
	[tilespmem:v40+s13+$0x0] =	vst.idx.msk vm0, v35  }
0x6f: {  	v27 =	vmul.f32 v27, v18;
	v35 =	vsub.f32 v42, v37;
	v28 =	vmul.f32 v28, v19;
	v37 =	vld [tilespmem:s21+$0x70]  }
0x70: {  	v36 =	vsub.f32 v30, v36;
	v40 =	vld [tilespmem:s21+$0xFFFFFFD0];
	v39 =	vsub.f32 v47, v39;
	v42 =	vmul.f32 $6.553700000e+04, v29;
	v48, _, _ =	vpop (xrf2)  }
0x71: {  	v35 =	vmul.f32 v35, v21;
	v26 =	vsub.f32 v45, v26;
	v49 =	vld [tilespmem:s21+$0xFFFFFFE0];
	v28 =	vadd.f32 v28, v27  }
0x72: {  	v45 =	vmul.f32 $6.553700000e+04, v41;
	v27 =	vld [tilespmem:s21+$0xFFFFFFF0];
	v29 =	vsub.f32 v42, v29;
	v50 =	vmul.f32 $6.553700000e+04, v31;
	[tilespmem:v32+s13+$0x0] =	vst.idx.msk vm0, v48  }
0x73: {  	v26 =	vmul.f32 v26, v23;
	v32 =	vsub.f32 v47, v39;
	v28 =	vadd.f32 v35, v28  }
0x74: {  	v30 =	vsub.f32 v30, v36;
	v31 =	vsub.f32 v50, v31;
	v35 =	vmul.f32 $6.553700000e+04, v37  }
0x75: {  	v29 =	vsub.f32 v42, v29;
	v26 =	vadd.f32 v26, v28;
	v28 =	vmul.f32 v32, v20  }
0x76: {  	v32 =	vsub.f32 v34, v33;
	v33 =	vmul.f32 $6.553700000e+04, v44;
	v34 =	vsub.f32 v35, v37  }
0x77: {  	v26 =	vadd.f32 v28, v26;
	v28 =	vmul.f32 v29, v22;
	v29 =	vsub.f32 v50, v31  }
0x78: {  	v30 =	vmul.f32 v30, v18;
	v31 =	vmul.f32 v32, v19;
	v32 =	vsub.f32 v45, v41  }
0x79: {  	v26 =	vadd.f32 v28, v26;
	v28 =	vmul.f32 v29, v24;
	v29 =	vsub.f32 v35, v34  }
0x7a: {  	v32 =	vsub.f32 v45, v32;
	v34 =	vsub.f32 v33, v44;
	v35 =	vmul.f32 $6.553700000e+04, v38  }
0x7b: {  	v36 =	vadd.f32 v31, v30;
	v26 =	vadd.f32 v28, v26;
	v28 =	vmul.f32 v29, v25  }
.Ltmp0:
0x7c: {  	v29 =	vmul.f32 v32, v21;
	v32 =	vsub.f32 v33, v34;
	v33 =	vsub.f32 v35, v38;
	(pc) =	sbr.rel @p0 .LBB2_2-.Ltmp0, $4  }
0x7d: {  	v31 =	vmul.f32 $6.553700000e+04, v40;
	v30 =	vmul.f32 $6.553700000e+04, v49;
	v26 =	vadd.f32 v28, v26  }
0x7e: {  	s21 =	sadd.s32 $0x100, s21;
	v36 =	vadd.f32 v29, v36;
	v37 =	vmul.f32 v32, v23;
	v38 =	vsub.f32 v35, v33  }
0x7f: {  	v34 =	vsub.f32 v31, v40;
	v33 =	vsub.f32 v30, v49;
	v32 =	vmul.f32 $6.553700000e+04, v27;
	v28 =	vld [tilespmem:s21+$0x0];
	(xrf2) =	vadd.scan.msk.f32 $0xffff, v26  }
0x80: {  	s22 =	sadd.s32 $0x2, s22;
	v35 =	vadd.f32 v37, v36;
	v36 =	vmul.f32 v38, v20;
	v26 =	vadd.f32 v43, v46;
	v29 =	vld [tilespmem:s21+$0x10]  }
0x81: {  	v37 =	vld [tilespmem:s21+$0x20]  }
0x82: {  	v38 =	vld [tilespmem:s21+$0xFFFFFF90]  }
0x83: {  	v39 =	vld [tilespmem:s21+$0x30]  }
0x84: {  	v58 =	vld [tilespmem:s21+$0xFFFFFF80]  }
0x85: {  	v60 =	vld [tilespmem:s21+$0x40]  }
0x86: {  	v31 =	vsub.f32 v31, v34;
	v27 =	vsub.f32 v32, v27;
	v41 =	vld [tilespmem:s21+$0x50]  }
0x87: {  	v30 =	vsub.f32 v30, v33;
	v63 =	vld [tilespmem:s21+$0x60];
	v35 =	vadd.f32 v36, v35;
	v59 =	vmul.f32 $6.553700000e+04, v28  }
0x88: {  	v44 =	vld [tilespmem:s21+$0xFFFFFFA0];
	v27 =	vsub.f32 v32, v27;
	v40 =	vmul.f32 $6.553700000e+04, v29;
	v61 =	vmul.f32 $6.553700000e+04, v37  }
0x89: {  	v28 =	vsub.f32 v59, v28;
	v42 =	vmul.f32 $6.553700000e+04, v38;
	v43 =	vmul.f32 $6.553700000e+04, v39  }
0x8a: {  	v45 =	vld [tilespmem:s21+$0x70];
	v62 =	vmul.f32 $6.553700000e+04, v58;
	v48 =	vmul.f32 $6.553700000e+04, v60;
	v29 =	vsub.f32 v40, v29  }
0x8b: {  	v46 =	vmul.f32 $6.553700000e+04, v41;
	v37 =	vsub.f32 v61, v37;
	v28 =	vsub.f32 v59, v28  }
0x8c: {  	v50 =	vld [tilespmem:s21+$0xFFFFFFB0];
	v51 =	vmul.f32 $6.553700000e+04, v63;
	v38 =	vsub.f32 v42, v38;
	v29 =	vsub.f32 v40, v29  }
0x8d: {  	v47 =	vmul.f32 $6.553700000e+04, v44;
	v39 =	vsub.f32 v43, v39;
	v33 =	vsub.f32 v62, v58  }
0x8e: {  	v28 =	vmul.f32 v28, v18;
	v36 =	vsub.f32 v61, v37;
	v29 =	vmul.f32 v29, v19  }
0x8f: {  	v52 =	vld [tilespmem:s21+$0xFFFFFFC0];
	v54 =	vmul.f32 $6.553700000e+04, v45;
	v32 =	vsub.f32 v48, v60;
	v41 =	vsub.f32 v46, v41  }
0x90: {  	v56 =	vld [tilespmem:s21+$0xFFFFFFE0];
	v49 =	vsub.f32 v43, v39;
	v28 =	vadd.f32 v29, v28;
	v29 =	vmul.f32 v36, v21  }
0x91: {  	v57 =	vmul.f32 $6.553700000e+04, v50;
	v53 =	vsub.f32 v51, v63;
	v55 =	vsub.f32 v47, v44  }
0x92: {  	v45 =	vsub.f32 v54, v45;
	v28 =	vadd.f32 v29, v28;
	v29 =	vmul.f32 v49, v23  }
0x93: {  	v59 =	vsub.f32 v57, v50;
	v33 =	vsub.f32 v62, v33  }
0x94: {  	v31 =	vmul.f32 v31, v22;
	v38 =	vsub.f32 v42, v38;
	v28 =	vadd.f32 v29, v28;
	v29 =	vld [tilespmem:s21+$0xFFFFFFD0]  }
0x95: {  	v60 =	vmul.f32 $6.553700000e+04, v52;
	v63 =	vmul.f32 $6.553700000e+04, v56;
	v32 =	vsub.f32 v48, v32  }
0x96: {  	v40 =	vsub.f32 v47, v55;
	v33 =	vmul.f32 v33, v18;
	v38 =	vmul.f32 v38, v19  }
0x97: {  	v58 =	vld [tilespmem:s21+$0xFFFFFFF0];
	v41 =	vsub.f32 v46, v41;
	v34 =	vsub.f32 v51, v53;
	v32 =	vmul.f32 v32, v20  }
0x98: {  	v61 =	vmul.f32 v40, v21;
	v36 =	vsub.f32 v60, v52;
	v33 =	vadd.f32 v38, v33  }
0x99: {  	v28 =	vadd.f32 v32, v28;
	v32 =	vsub.f32 v57, v59;
	v62 =	vmul.f32 $6.553700000e+04, v29  }
0x9a: {  	v30 =	vmul.f32 v30, v24;
	v44 =	vsub.f32 v63, v56;
	v36 =	vsub.f32 v60, v36  }
0x9b: {  	v33 =	vadd.f32 v61, v33;
	v32 =	vmul.f32 v32, v23;
	v29 =	vsub.f32 v62, v29  }
0x9c: {  	v41 =	vmul.f32 v41, v22;
	v50 =	vsub.f32 v63, v44;
	v47 =	vmul.f32 $6.553700000e+04, v58  }
0x9d: {  	v48 =	vmul.f32 v36, v20;
	v32 =	vadd.f32 v32, v33;
	v29 =	vsub.f32 v62, v29  }
0x9e: {  	v34 =	vmul.f32 v34, v24;
	v49 =	vsub.f32 v54, v45;
	v28 =	vadd.f32 v41, v28  }
0x9f: {  	v51 =	vsub.f32 v47, v58;
	v32 =	vadd.f32 v48, v32;
	v29 =	vmul.f32 v29, v22  }
0xa0: {  	v31 =	vadd.f32 v31, v35;
	v53 =	vmul.f32 v50, v24;
	v28 =	vadd.f32 v34, v28  }
0xa1: {  	v52 =	vmul.f32 v49, v25;
	v33 =	vsub.f32 v47, v51;
	v29 =	vadd.f32 v29, v32  }
0xa2: {  	v27 =	vmul.f32 v27, v25;
	v30 =	vadd.f32 v30, v31  }
0xa3: {  	(xrf2) =	vadd.scan.msk.f32 $0xffff, v26;
	v28 =	vadd.f32 v52, v28;
	v31 =	vmul.f32 v33, v25;
	v29 =	vadd.f32 v53, v29  }
0xa4: {  	v26 =	vadd.f32 v27, v30  }
0xa5: {  	(xrf2) =	vadd.scan.msk.f32 $0xffff, v28;
	v27 =	vadd.f32 v31, v29  }
0xa6: {  	(xrf2) =	vadd.scan.msk.f32 $0xffff, v26;
	v26 =	vmov s20  }
0xa7: {  	v26 =	vand.u32 $0xFFFFFFFE, v26;
	(xrf2) =	vadd.scan.msk.f32 $0xffff, v27  }
0xa8: {  	v26 =	vbroadcast v26, $0x0  }
0xa9: {  	s28 =	sadd.s32 $0x1, s18;
	v28 =	vmov s18  }
0xaa: {  	s29 =	sadd.s32 $0x1, s19;
	v28 =	vand.u32 $0xFFFFFFFE, v28;
	v29 =	vmov s19;
	v27 =	vmov s28  }
0xab: {  	v30 =	vmov s29;
	v28 =	vbroadcast v28, $0x0;
	v29 =	vand.u32 $0xFFFFFFFE, v29  }
0xac: {  	v31, _, _ =	vpop (xrf2);
	v29 =	vbroadcast v29, $0x0  }
0xad: {  	v54, _, _ =	vpop (xrf2)  }
0xae: {  	[tilespmem:v26+s13+$0x0] =	vst.idx.msk vm0, v54  }
0xaf: {  	[tilespmem:v27+s13+$0x0] =	vst.idx.msk vm0, v31;
	v27, _, _ =	vpop (xrf2)  }
0xb0: {  	[tilespmem:v30+s13+$0x0] =	vst.idx.msk vm0, v27;
	v26, _, _ =	vpop (xrf2)  }
0xb1: {  	[tilespmem:v28+s13+$0x0] =	vst.idx.msk vm0, v26;
	v26, _, _ =	vpop (xrf2)  }
0xb2: {  	[tilespmem:v29+s13+$0x0] =	vst.idx.msk vm0, v26  }
0xb3: {  	_ =	swait.ge [sflag:s14], $0x8000  }
0xb4: {  	[sflag:s14] =	ssyncset.done $0x0  }
0xb5: {  	s30 =	simm.s32 $0x8080;
	[sflag:s14] =	ssyncadd.s32 $0xFFFF8000  }
0xb6: {  	v27 =	vld [tilespmem:s30+$0x0]  }
0xb7: {  	v28 =	vld [tilespmem:s30+$0x10]  }
0xb8: {  	v29 =	vld [tilespmem:s30+$0x20]  }
0xb9: {  	v30 =	vld [tilespmem:s30+$0xFFFFFF90]  }
0xba: {  	v31 =	vld [tilespmem:s30+$0x30]  }
0xbb: {  	v55 =	vld [tilespmem:s30+$0xFFFFFF80]  }
0xbc: {  	s31 =	simm.s32 $0x100;
	v58 =	vld [tilespmem:s30+$0x40]  }
0xbd: {  	v26 =	vmov s31;
	v46 =	vld [tilespmem:s30+$0x60];
	v56 =	vmul.f32 $6.553700000e+04, v27  }
0xbe: {  	v26 =	vand.u32 $0xFFFFFFFE, v26;
	v48 =	vld [tilespmem:s30+$0x70];
	v57 =	vmul.f32 $6.553700000e+04, v28;
	v59 =	vmul.f32 $6.553700000e+04, v29  }
0xbf: {  	v62 =	vmul.f32 $6.553700000e+04, v30;
	v63 =	vmul.f32 $6.553700000e+04, v31;
	v27 =	vsub.f32 v56, v27  }
0xc0: {  	v60 =	vld [tilespmem:s30+$0x50];
	v45 =	vmul.f32 $6.553700000e+04, v55;
	v28 =	vsub.f32 v57, v28;
	v29 =	vsub.f32 v59, v29  }
0xc1: {  	v47 =	vmul.f32 $6.553700000e+04, v58;
	v30 =	vsub.f32 v62, v30;
	v31 =	vsub.f32 v63, v31  }
0xc2: {  	v61 =	vld [tilespmem:s30+$0xFFFFFFA0];
	v52 =	vmul.f32 $6.553700000e+04, v46;
	v27 =	vsub.f32 v56, v27;
	v28 =	vsub.f32 v57, v28  }
0xc3: {  	v53 =	vmul.f32 $6.553700000e+04, v48;
	v32 =	vsub.f32 v45, v55;
	v35 =	vsub.f32 v47, v58  }
0xc4: {  	v50 =	vld [tilespmem:s30+$0xFFFFFFB0];
	v29 =	vsub.f32 v59, v29;
	v27 =	vmul.f32 v27, v18;
	v28 =	vmul.f32 v28, v19  }
0xc5: {  	v49 =	vmul.f32 $6.553700000e+04, v60;
	v33 =	vsub.f32 v52, v46;
	v36 =	vsub.f32 v53, v48  }
0xc6: {  	v27 =	vadd.f32 v28, v27;
	v28 =	vmul.f32 v29, v21;
	v29 =	vsub.f32 v63, v31  }
0xc7: {  	v51 =	vmul.f32 $6.553700000e+04, v61;
	v32 =	vsub.f32 v45, v32;
	v31 =	vsub.f32 v49, v60  }
0xc8: {  	v54 =	vld [tilespmem:s30+$0xFFFFFFC0];
	v27 =	vadd.f32 v28, v27;
	v28 =	vmul.f32 v29, v23;
	v29 =	vsub.f32 v47, v35  }
0xc9: {  	v55 =	vmul.f32 $6.553700000e+04, v50;
	v39 =	vsub.f32 v62, v30;
	v57 =	vsub.f32 v51, v61  }
0xca: {  	v27 =	vadd.f32 v28, v27;
	v28 =	vmul.f32 v29, v20;
	v29 =	vsub.f32 v49, v31  }
0xcb: {  	v59 =	vsub.f32 v55, v50;
	v32 =	vmul.f32 v32, v18;
	v56 =	vmul.f32 v39, v19  }
0xcc: {  	v30 =	vld [tilespmem:s30+$0xFFFFFFD0];
	v27 =	vadd.f32 v28, v27;
	v28 =	vmul.f32 v29, v22;
	v29 =	vsub.f32 v52, v33  }
0xcd: {  	p1 =	por $0x1, $0x1;
	v58 =	vsub.f32 v51, v57;
	v62 =	vsub.f32 v55, v59;
	v60 =	vmul.f32 $6.553700000e+04, v54;
	v31 =	vld [tilespmem:s30+$0xFFFFFFE0]  }
.Ltmp1:
0xce: {  	v27 =	vadd.f32 v28, v27;
	v28 =	vmul.f32 v29, v24;
	v29 =	vsub.f32 v53, v36;
	(pc) =	sbr.rel @!p1 .LBB2_4-.Ltmp1, $4  }
0xcf: {  	v26 =	vbroadcast v26, $0x0;
	v61 =	vadd.f32 v56, v32;
	v63 =	vsub.f32 v60, v54  }
0xd0: {  	v27 =	vadd.f32 v28, v27;
	v28 =	vmul.f32 v29, v25;
	v29 =	vmul.f32 v58, v21  }
0xd1: {  	v37 =	vmul.f32 v62, v23;
	v35 =	vmul.f32 $6.553700000e+04, v30;
	v38 =	vsub.f32 v60, v63  }
0xd2: {  	p0 =	por $0x0, $0x0;
	s21 =	simm.s32 $0x8180;
	s19 =	simm.s32 $0x101;
	v32 =	vld [tilespmem:s30+$0xFFFFFFF0];
	v34 =	vmul.f32 $6.553700000e+04, v31;
	v33 =	vadd.f32 v28, v27;
	v36 =	vadd.f32 v29, v61  }
0xd3: {  	_ =	sdelay $0x1  }
0xd4: {  	v29 =	vld [tilespmem:s21+$0x0]  }
0xd5: {  	v28 =	vsub.f32 v34, v31;
	v31 =	vld [tilespmem:s21+$0x10]  }
0xd6: {  	v27 =	vsub.f32 v35, v30;
	v52 =	vld [tilespmem:s21+$0x20];
	v30 =	vmul.f32 $6.553700000e+04, v32  }
0xd7: {  	s18 =	simm.s32 $0x102;
	v51 =	vmul.f32 v38, v20;
	v54 =	vld [tilespmem:s21+$0xFFFFFF90];
	v28 =	vsub.f32 v34, v28  }
0xd8: {  	v55 =	vld [tilespmem:s21+$0x30];
	v36 =	vadd.f32 v37, v36;
	v53 =	vmov s18;
	v32 =	vsub.f32 v30, v32  }
0xd9: {  	v41 =	vld [tilespmem:s21+$0xFFFFFF80];
	v27 =	vsub.f32 v35, v27;
	v35 =	vand.u32 $0xFFFFFFFE, v53;
	v40 =	vmul.f32 v28, v24  }
0xda: {  	v57 =	vld [tilespmem:s21+$0x40];
	v56 =	vmul.f32 $6.553700000e+04, v31;
	v28 =	vsub.f32 v30, v32;
	v30 =	vmul.f32 $6.553700000e+04, v29  }
0xdb: {  	v36 =	vadd.f32 v51, v36;
	v39 =	vmul.f32 v27, v22;
	v43 =	vmul.f32 $6.553700000e+04, v52  }
0xdc: {  	v45 =	vld [tilespmem:s21+$0x50];
	v27 =	vbroadcast v35, $0x0;
	v31 =	vsub.f32 v56, v31;
	v44 =	vsub.f32 v30, v29  }
0xdd: {  	v58 =	vmul.f32 $6.553700000e+04, v54;
	v47 =	vmul.f32 $6.553700000e+04, v55;
	v38 =	vsub.f32 v43, v52  }
0xde: {  	v60 =	vld [tilespmem:s21+$0x60];
	v59 =	vmul.f32 $6.553700000e+04, v41;
	v31 =	vsub.f32 v56, v31;
	v30 =	vsub.f32 v30, v44  }
0xdf: {  	v61 =	vmul.f32 $6.553700000e+04, v57;
	v36 =	vadd.f32 v39, v36;
	v37 =	vsub.f32 v47, v55  }
0xe0: {  	v62 =	vld [tilespmem:s21+$0x70];
	v38 =	vsub.f32 v43, v38;
	v31 =	vmul.f32 v31, v19;
	v30 =	vmul.f32 v30, v18  }
0xe1: {  	v63 =	vmul.f32 $6.553700000e+04, v45;
	v34 =	vsub.f32 v58, v54;
	v35 =	vsub.f32 v61, v57  }
0xe2: {  	v46 =	vld [tilespmem:s21+$0xFFFFFFA0];
	v37 =	vsub.f32 v47, v37;
	v30 =	vadd.f32 v31, v30;
	v31 =	vmul.f32 v38, v21  }
0xe3: {  	v41 =	vsub.f32 v59, v41;
	v53 =	vsub.f32 v63, v45;
	v54 =	vmul.f32 $6.553700000e+04, v60  }
0xe4: {  	v35 =	vsub.f32 v61, v35;
	v30 =	vadd.f32 v31, v30;
	v31 =	vmul.f32 v37, v23  }
0xe5: {  	v55 =	vmul.f32 $6.553700000e+04, v62;
	v32 =	vsub.f32 v54, v60;
	v34 =	vsub.f32 v58, v34  }
0xe6: {  	v48 =	vld [tilespmem:s21+$0xFFFFFFB0];
	(xrf2) =	vadd.scan.msk.f32 $0xffff, v33;
	v35 =	vmul.f32 v35, v20;
	v38 =	vsub.f32 v63, v53;
	v31 =	vadd.f32 v31, v30  }
0xe7: {  	v52 =	vmul.f32 $6.553700000e+04, v46;
	v58 =	vsub.f32 v55, v62;
	v29 =	vadd.f32 v40, v36  }
0xe8: {  	v32 =	vsub.f32 v54, v32;
	v38 =	vmul.f32 v38, v22;
	v35 =	vadd.f32 v35, v31  }
0xe9: {  	v36 =	vsub.f32 v59, v41;
	v56 =	vld [tilespmem:s21+$0xFFFFFFC0];
	v59 =	vsub.f32 v52, v46  }
0xea: {  	v32 =	vmul.f32 v32, v24;
	v37 =	vsub.f32 v55, v58;
	v35 =	vadd.f32 v38, v35  }
0xeb: {  	v42 =	vmov s19;
	v57 =	vmul.f32 $6.553700000e+04, v48;
	v30 =	vld [tilespmem:s21+$0xFFFFFFD0]  }
0xec: {  	v33 =	vsub.f32 v52, v59;
	v37 =	vmul.f32 v37, v25;
	v31 =	vld [tilespmem:s21+$0xFFFFFFE0];
	v32 =	vadd.f32 v32, v35  }
0xed: {  	p2 =	por $0x1, $0x1;
	v60 =	vsub.f32 v57, v48;
	v34 =	vmul.f32 v34, v19;
	v36 =	vmul.f32 v36, v18  }
.Ltmp2:
0xee: {  	v43 =	vmul.f32 v33, v21;
	v61 =	vmul.f32 $6.553700000e+04, v56;
	v33 =	vadd.f32 v37, v32;
	v32 =	vld [tilespmem:s21+$0xFFFFFFF0];
	(pc) =	sbr.rel @!p2 .LBB2_6-.Ltmp2, $4  }
0xef: {  	v36 =	vadd.f32 v34, v36  }
0xf0: {  	s18 =	simm.s32 $0x10100;
	v28 =	vmul.f32 v28, v25;
	v62, _, _ =	vpop (xrf2);
	v63 =	vsub.f32 v61, v56;
	v38 =	vsub.f32 v57, v60  }
0xf1: {  	s19 =	simm.s32 $0x103;
	s20 =	simm.s32 $0x8280;
	[tilespmem:v42+s18+$0x0] =	vst.idx.msk vm0, v62;
	v35 =	vmul.f32 $6.553700000e+04, v30;
	v34 =	vmul.f32 $6.553700000e+04, v31  }
0xf2: {  	p1 =	por $0x1, $0x1;
	s22 =	simm.s32 $0x103;
	v36 =	vadd.f32 v43, v36;
	v37 =	vmul.f32 v38, v23;
	v38 =	vsub.f32 v61, v63;
	s21 =	simm.s32 $0x10100  }
.LBB2_7:
0xf3: {  	v39 =	vld [tilespmem:s20+$0x0];
	v30 =	vsub.f32 v35, v30;
	v31 =	vsub.f32 v34, v31;
	v40 =	vmul.f32 $6.553700000e+04, v32;
	s22 =	sadd.s32 $0x2, s22;
	(xrf2) =	vadd.scan.msk.f32 $0xffff, v33  }
0xf4: {  	v28 =	vadd.f32 v28, v29;
	s23 =	sadd.s32 $0xFFFFFFFF, s22;
	v33 =	vld [tilespmem:s20+$0x10];
	s24 =	sadd.s32 $0xFFFFFEFF, s22;
	v36 =	vadd.f32 v37, v36;
	v37 =	vmul.f32 v38, v20  }
0xf5: {  	v29 =	vmov s23;
	v38 =	vld [tilespmem:s20+$0x20];
	p2 =	slt.u32 s24, $0xFE;
	v30 =	vsub.f32 v35, v30;
	v31 =	vsub.f32 v34, v31  }
0xf6: {  	v32 =	vsub.f32 v40, v32;
	v34 =	vld [tilespmem:s20+$0xFFFFFF90];
	v29 =	vand.u32 $0xFFFFFFFE, v29;
	v35 =	vadd.f32 v37, v36;
	(xrf2) =	vadd.scan.msk.f32 $0xffff, v28  }
0xf7: {  	v36 =	vld [tilespmem:s20+$0x30];
	v28 =	vmul.f32 v30, v22;
	v30 =	vmul.f32 v31, v24  }
0xf8: {  	v37 =	vbroadcast v29, $0x0;
	v29 =	vsub.f32 v40, v32;
	v31 =	vld [tilespmem:s20+$0xFFFFFF80]  }
0xf9: {  	v42 =	vmov s19;
	s19 =	smov.u32 s22;
	v32 =	vmul.f32 $6.553700000e+04, v39;
	v40 =	vmul.f32 $6.553700000e+04, v33;
	v41 =	vld [tilespmem:s20+$0x40]  }
0xfa: {  	v35 =	vadd.f32 v28, v35;
	v28 =	vmul.f32 v29, v25;
	v43 =	vld [tilespmem:s20+$0xFFFFFFA0];
	v44 =	vmul.f32 $6.553700000e+04, v38  }
0xfb: {  	v49 =	vsub.f32 v32, v39;
	v45 =	vmul.f32 $6.553700000e+04, v34;
	v33 =	vsub.f32 v40, v33;
	v46 =	vld [tilespmem:s20+$0x50]  }
0xfc: {  	v29 =	vadd.f32 v30, v35;
	v47 =	vld [tilespmem:s20+$0xFFFFFFB0];
	v38 =	vsub.f32 v44, v38;
	v48 =	vmul.f32 $6.553700000e+04, v36  }
0xfd: {  	v30 =	vsub.f32 v32, v49;
	v35 =	vmul.f32 $6.553700000e+04, v31;
	v32 =	vsub.f32 v40, v33;
	v33 =	vld [tilespmem:s20+$0x60];
	v39, _, _ =	vpop (xrf2)  }
0xfe: {  	v34 =	vsub.f32 v45, v34;
	v40 =	vld [tilespmem:s20+$0xFFFFFFC0];
	v36 =	vsub.f32 v48, v36;
	v49 =	vmul.f32 $6.553700000e+04, v41;
	[tilespmem:v42+s18+$0x0] =	vst.idx.msk vm0, v39  }
0xff: {  	v39 =	vmul.f32 v30, v18;
	v38 =	vsub.f32 v44, v38;
	v32 =	vmul.f32 v32, v19;
	v42 =	vld [tilespmem:s20+$0x70]  }
0x100: {  	v44 =	vsub.f32 v35, v31;
	v30 =	vld [tilespmem:s20+$0xFFFFFFD0];
	v41 =	vsub.f32 v49, v41;
	v50 =	vmul.f32 $6.553700000e+04, v46;
	v51, _, _ =	vpop (xrf2)  }
0x101: {  	v38 =	vmul.f32 v38, v21;
	v36 =	vsub.f32 v48, v36;
	v31 =	vld [tilespmem:s20+$0xFFFFFFE0];
	v39 =	vadd.f32 v32, v39  }
0x102: {  	v48 =	vmul.f32 $6.553700000e+04, v43;
	v32 =	vld [tilespmem:s20+$0xFFFFFFF0];
	v46 =	vsub.f32 v50, v46;
	v52 =	vmul.f32 $6.553700000e+04, v33;
	[tilespmem:v26+s21+$0x0] =	vst.idx.msk vm0, v51;
	v26 =	vmovc v27;
	s21 =	smov.u32 s18  }
0x103: {  	v36 =	vmul.f32 v36, v23;
	v27 =	vmovc v37;
	v38 =	vadd.f32 v38, v39;
	v39 =	vsub.f32 v49, v41  }
0x104: {  	v35 =	vsub.f32 v35, v44;
	v33 =	vsub.f32 v52, v33;
	v37 =	vmul.f32 $6.553700000e+04, v42  }
0x105: {  	v36 =	vadd.f32 v36, v38;
	v38 =	vmul.f32 v39, v20;
	v39 =	vsub.f32 v50, v46  }
0x106: {  	v34 =	vsub.f32 v45, v34;
	v41 =	vmul.f32 $6.553700000e+04, v47;
	v42 =	vsub.f32 v37, v42  }
0x107: {  	v33 =	vsub.f32 v52, v33;
	v36 =	vadd.f32 v38, v36;
	v38 =	vmul.f32 v39, v22  }
0x108: {  	v34 =	vmul.f32 v34, v19;
	v35 =	vmul.f32 v35, v18;
	v39 =	vsub.f32 v48, v43  }
0x109: {  	v33 =	vmul.f32 v33, v24;
	v37 =	vsub.f32 v37, v42;
	v36 =	vadd.f32 v38, v36  }
.Ltmp3:
0x10a: {  	v42 =	vmul.f32 $6.553700000e+04, v40;
	v38 =	vsub.f32 v48, v39;
	v39 =	vsub.f32 v41, v47;
	(pc) =	sbr.rel @p2 .LBB2_7-.Ltmp3, $4  }
0x10b: {  	v43 =	vadd.f32 v34, v35;
	v33 =	vadd.f32 v33, v36;
	v36 =	vmul.f32 v37, v25  }
0x10c: {  	v37 =	vmul.f32 v38, v21;
	v38 =	vsub.f32 v41, v39;
	v39 =	vsub.f32 v42, v40  }
0x10d: {  	v35 =	vmul.f32 $6.553700000e+04, v30;
	v34 =	vmul.f32 $6.553700000e+04, v31;
	v33 =	vadd.f32 v36, v33  }
0x10e: {  	s20 =	sadd.s32 $0x100, s20;
	v36 =	vadd.f32 v37, v43;
	v37 =	vmul.f32 v38, v23;
	v38 =	vsub.f32 v42, v39  }
0x10f: {  	v18 =	vmov v26;
	s18 =	smov.u32 s21;
	v26 =	vmov v27  }
.LBB2_9:
0x110: {  	v19 =	vsub.f32 v35, v30  }
0x111: {  	v21 =	vsub.f32 v34, v31;
	v23 =	vmul.f32 $6.553700000e+04, v32  }
0x112: {  	v27 =	vadd.f32 v37, v36;
	v20 =	vmul.f32 v38, v20;
	v19 =	vsub.f32 v35, v19  }
0x113: {  	v21 =	vsub.f32 v34, v21  }
0x114: {  	v20 =	vadd.f32 v20, v27;
	v27 =	vsub.f32 v23, v32;
	v19 =	vmul.f32 v19, v22;
	_ =	sdelay $0x1  }
0x115: {  	v21 =	vmul.f32 v21, v24;
	v63 =	vsub.f32 v23, v27;
	v19 =	vadd.f32 v19, v20;
	_ =	sdelay $0x1  }
0x116: {  	v20 =	vmul.f32 v63, v25;
	v19 =	vadd.f32 v21, v19  }
0x117: {  	v21 =	vadd.f32 @p1 v28, v29  }
0x118: {  	(xrf2) =	vadd.scan.msk.f32 $0xffff, v33;
	v19 =	vadd.f32 v20, v19  }
0x119: {  	(xrf2) =	vadd.scan.msk.f32 @p1 $0xffff, v21  }
0x11a: {  	(xrf2) =	vadd.scan.msk.f32 $0xffff, v19;
	_ =	sdelay $0x3  }
0x11b: {  	v19 =	vmov s19;
	_ =	sdelay $0x3  }
0x11c: {  	s31 =	simm.s32 $0x10100;
	v20, _, _ =	vpop (xrf2)  }
0x11d: {  	[tilespmem:v19+s31+$0x0] =	vst.idx.msk vm0, v20;
	v19, _, _ =	vpop @p1 (xrf2)  }
0x11e: {  	[tilespmem:v18+s18+$0x0] =	vst.idx.msk @p1 vm0, v19;
	v18, _, _ =	vpop (xrf2)  }
0x11f: {  	[tilespmem:v26+s31+$0x0] =	vst.idx.msk vm0, v18  }
0x120: {  	v19 =	vld [tilespmem:s31+$0x0];
	_ =	sdelay $0x2  }
0x121: {  	p1 =	por $0x1, $0x1  }
.Ltmp4:
0x122: {  	_ = 	snop;
	(pc) =	sbr.rel @!p1 .LBB2_10-.Ltmp4, $3  }
0x123: {  	v18 =	vand.u32 $0x7FFFFFFF, v19  }
0x124: {  	v18 =	vsub.f32 $0.0e+00, v18;
	_ =	sdelay $0x1  }
0x125: {  	s20 =	simm.s32 $0x10110;
	s19 =	simm.s32 $0x10300;
	s18 =	simm.s32 $0x10510;
	v26 =	vmul.f32 $1.442695020e+00, v18  }
0x126: {  	v22 =	vld [tilespmem:s20+$0x0];
	_ =	sdelay $0x2  }
0x127: {  	p2 =	por $0x1, $0x1  }
.Ltmp5:
0x128: {  	_ = 	snop;
	(pc) =	sbr.rel @!p2 .LBB2_12-.Ltmp5, $3  }
0x129: {  	v18 =	vand.u32 $0x7FFFFFFF, v22  }
0x12a: {  	v18 =	vsub.f32 $0.0e+00, v18;
	_ =	sdelay $0x1  }
0x12b: {  	s20 =	simm.s32 $0x10120;
	p1 =	por $0x1, $0x1;
	(erf) = vpow2.f32 v26;
	v26 =	vmul.f32 $1.442695020e+00, v18  }
0x12c: {  	_ =	sdelay $0x2  }
0x12d: {  	v25 =	vld [tilespmem:s20+$0x0];
	_ =	sdelay $0x2  }
0x12e: {  	p3 =	por $0x1, $0x1  }
.Ltmp6:
0x12f: {  	_ = 	snop;
	(pc) =	sbr.rel @!p3 .LBB2_14-.Ltmp6, $4  }
0x130: {  	v18 =	vand.u32 $0x7FFFFFFF, v25;
	v30 =	vpop (erf)  }
0x131: {  	v18 =	vsub.f32 $0.0e+00, v18;
	v20 =	vadd.f32 $2.000000000e+00, v30  }
0x132: {  	(erf) = vpow2.f32 v26  }
0x133: {  	s20 =	simm.s32 $0x10130;
	p2 =	por $0x1, $0x1;
	v26 =	vmul.f32 $1.442695020e+00, v18;
	(erf) = vrcp.f32 v20  }
0x134: {  	_ =	sdelay $0x3  }
0x135: {  	v18 =	vld [tilespmem:s20+$0x0];
	_ =	sdelay $0x2  }
0x136: {  	v27 =	vpop (erf)  }
0x137: {  	p4 =	por $0x1, $0x1;
	v20 =	vpop (erf)  }
.Ltmp7:
0x138: {  	v24 =	vand.u32 $0x7FFFFFFF, v18;
	v20 =	vmul.f32 v20, v30;
	(pc) =	sbr.rel @!p4 .LBB2_16-.Ltmp7, $4  }
0x139: {  	v24 =	vsub.f32 $0.0e+00, v24  }
0x13a: {  	v23 =	vadd.f32 $2.000000000e+00, v27;
	v21 =	vmul.f32 v20, v20  }
0x13b: {  	(erf) = vpow2.f32 v26;
	v26 =	vmul.f32 $1.442695020e+00, v24  }
0x13c: {  	s20 =	simm.s32 $0x10140;
	p3 =	por $0x1, $0x1;
	(erf) = vrcp.f32 v23;
	v23 =	vmul.f32 $1.111111120e-01, v21  }
0x13d: {  	_ =	sdelay $0x3  }
0x13e: {  	v41 =	vld [tilespmem:s20+$0x0];
	v24 =	vadd.f32 $1.428571490e-01, v23;
	_ =	sdelay $0x1  }
0x13f: {  	v24 =	vmul.f32 v24, v21  }
0x140: {  	v28 =	vpop (erf)  }
0x141: {  	p5 =	por $0x1, $0x1;
	v24 =	vadd.f32 $2.000000030e-01, v24;
	v29 =	vpop (erf)  }
.Ltmp8:
0x142: {  	v31 =	vand.u32 $0x7FFFFFFF, v41;
	v27 =	vmul.f32 v29, v27;
	(pc) =	sbr.rel @!p5 .LBB2_18-.Ltmp8, $4  }
0x143: {  	(erf) = vpow2.f32 v26;
	v24 =	vmul.f32 v24, v21;
	v26 =	vsub.f32 $0.0e+00, v31  }
0x144: {  	v30 =	vadd.f32 $2.000000000e+00, v28;
	v29 =	vmul.f32 v27, v27  }
0x145: {  	v32 =	vadd.f32 $3.333333430e-01, v24;
	v26 =	vmul.f32 $1.442695020e+00, v26  }
0x146: {  	s20 =	simm.s32 $0x10150;
	p4 =	por $0x1, $0x1;
	v24 =	vshrl.u32 v0, $0x1;
	(erf) = vrcp.f32 v30;
	v31 =	vmul.f32 $1.111111120e-01, v29  }
0x147: {  	_ =	sdelay $0x3  }
0x148: {  	v44 =	vld [tilespmem:s20+$0x0];
	v33 =	vadd.f32 $1.428571490e-01, v31  }
0x149: {  	v34 =	vmul.f32 v32, v21;
	v35 =	vor.u32 $0x8, v24;
	v37 =	vmul.f32 $-2.000000000e+00, v20;
	v30 =	vpop (erf)  }
0x14a: {  	v36 =	vmul.f32 v33, v29;
	(erf) = vpow2.f32 v26;
	v26 =	vadd.f32 $2.000000000e+00, v30  }
0x14b: {  	v38 =	vperm.xlane v19, v24;
	v35 =	vperm.xlane v19, v35  }
0x14c: {  	v34 =	vadd.f32 $1.000000000e+00, v34;
	v60 =	vadd.f32 $2.000000030e-01, v36;
	v59 =	vpop (erf);
	(erf) = vrcp.f32 v26  }
0x14d: {  	p5 =	por $0x1, $0x1;
	vm2 =	vgt.f32 v35, $0.0e+00;
	v61 =	vand.u32 $0x7FFFFFFF, v44;
	v33 =	vmul.f32 v59, v28  }
.Ltmp9:
0x14e: {  	v34 =	vmul.f32 v34, v37;
	v36 =	vsub.f32 $0.0e+00, v61;
	v35 =	vmul.f32 v60, v29;
	(pc) =	sbr.rel @!p5 .LBB2_20-.Ltmp9, $4  }
0x14f: {  	vm3 =	vgt.f32 v38, $0.0e+00;
	vm2 =	vmxor vm2, vm1;
	v37 =	vmul.f32 v33, v33  }
0x150: {  	v62 =	vsel vm2, $0x3F800000, v17;
	vm2 =	vmxor vm3, vm1;
	[tilespmem:s19+$0x0] =	vst v34  }
0x151: {  	s22 =	simm.s32 $0x50;
	s23 =	simm.s32 $0x10160;
	v63 =	vsel vm2, $0x3F800000, v17;
	[tilespmem:s18+$0x0] =	vst v62;
	v40 =	vadd.f32 $3.333333430e-01, v35;
	v39 =	vmul.f32 $1.111111120e-01, v37  }
0x152: {  	p0 =	por $0x1, $0x1;
	v43 =	vmovc v27;
	s20 =	simm.s32 $0x10300;
	s21 =	simm.s32 $0x10510;
	[tilespmem:s18+$0xFFFFFFF0] =	vst v63;
	v26 =	vmul.f32 $1.442695020e+00, v36;
	v34 =	vmovc v29;
	v36 =	vmov v25;
	v35 =	vmov v22  }
.LBB2_21:
0x153: {  	v38 =	vld [tilespmem:s23+$0x0];
	v42 =	vpop (erf);
	v39 =	vadd.f32 $1.428571490e-01, v39;
	v40 =	vmul.f32 v40, v34;
	v46 =	vor.u32 $0x8, v24  }
0x154: {  	v34 =	vmovc v37;
	(erf) = vpow2.f32 v26;
	v26 =	vadd.f32 $2.000000000e+00, v42;
	v45 =	vperm.xlane v35, v46  }
0x155: {  	v43 =	vmul.f32 $-2.000000000e+00, v43;
	v37 =	vpop (erf);
	v39 =	vmul.f32 v39, v34;
	v40 =	vadd.f32 $1.000000000e+00, v40  }
0x156: {  	s22 =	sadd.s32 $0x10, s22;
	(erf) = vrcp.f32 v26;
	v26 =	vperm.xlane v35, v24;
	vm2 =	vgt.f32 v45, $0.0e+00;
	v35 =	vmovc v36;
	v36 =	vmovc v18  }
0x157: {  	p5 =	slt.u32 s22, $0x1F0;
	v45 =	vmul.f32 v37, v30;
	v18 =	vmovc v41;
	v41 =	vmovc v44;
	v39 =	vadd.f32 $2.000000030e-01, v39;
	v40 =	vmul.f32 v40, v43  }
.Ltmp10:
0x158: {  	s20 =	sadd.s32 $0x10, s20;
	v30 =	vmovc v42;
	vm2 =	vmxor vm2, vm1;
	v46 =	vand.u32 $0x7FFFFFFF, v38;
	vm3 =	vgt.f32 v26, $0.0e+00;
	v44 =	vmovc v38;
	(pc) =	sbr.rel @p5 .LBB2_21-.Ltmp10, $4  }
0x159: {  	s21 =	sadd.s32 $0x20, s21;
	v43 =	vmovc v33;
	v37 =	vmul.f32 v45, v45;
	v38 =	vsel vm2, $0x3F800000, v17;
	v26 =	vmul.f32 v39, v34;
	[tilespmem:s20+$0x0] =	vst v40  }
0x15a: {  	v33 =	vmov v45;
	v42 =	vsub.f32 $0.0e+00, v46;
	vm2 =	vmxor vm3, vm1;
	[tilespmem:s21+$0x0] =	vst v38  }
0x15b: {  	v39 =	vmul.f32 $1.111111120e-01, v37;
	v38 =	vsel vm2, $0x3F800000, v17;
	v40 =	vadd.f32 $3.333333430e-01, v26  }
0x15c: {  	s23 =	sadd.s32 $0x10, s23;
	v26 =	vmul.f32 $1.442695020e+00, v42;
	[tilespmem:s21+$0xFFFFFFF0] =	vst v38  }
0x15d: {  	v42 =	vmov v18;
	v38 =	vmov v41;
	v18 =	vmov v44  }
.LBB2_23:
0x15e: {  	v39 =	vadd.f32 @p3 $1.428571490e-01, v39;
	(erf) = vpow2.f32 v26;
	_ =	sdelay $0x1  }
0x15f: {  	v39 =	vmul.f32 @p3 v39, v37  }
0x160: {  	v26 =	vpop @p1 (erf);
	v34 =	vmul.f32 @p4 v40, v34;
	v41 =	vor.u32 @p4 $0x8, v24;
	v36 =	vpsel p3, v36, v19  }
0x161: {  	v33 =	vpsel p3, v33, v20;
	v60 =	vshrl.u32 v0, $0x1;
	v40 =	vpop @p2 (erf);
	v39 =	vadd.f32 @p3 $2.000000030e-01, v39  }
0x162: {  	v44 =	vadd.f32 @p1 $2.000000000e+00, v26;
	v30 =	vmul.f32 @p2 v40, v30;
	v40 =	vperm.xlane @p4 v35, v41  }
0x163: {  	v26 =	vpsel p1, v26, v28;
	v35 =	vperm.xlane @p4 v35, v24;
	v39 =	vmul.f32 @p3 v39, v37  }
0x164: {  	v41 =	vmul.f32 @p4 $-2.000000000e+00, v43;
	v34 =	vadd.f32 @p4 $1.000000000e+00, v34;
	(erf) = vrcp.f32 @p1 v44  }
0x165: {  	v33 =	vmul.f32 @p3 $-2.000000000e+00, v33;
	vm3 =	vgt.f32 @p4 v35, $0.0e+00;
	v35 =	vadd.f32 @p3 $3.333333430e-01, v39  }
0x166: {  	v43 =	vmul.f32 @p2 v30, v30;
	vm2 =	vgt.f32 @p4 v40, $0.0e+00;
	v34 =	vmul.f32 @p4 v34, v41;
	v51 =	vpop (erf)  }
0x167: {  	v41 =	vshrl.u32 @p3 v0, $0x1;
	v27 =	vpsel p2, v30, v27;
	v52 =	vadd.f32 $2.000000000e+00, v51  }
0x168: {  	vm2 =	vmxor @p4 vm2, vm1;
	v24 =	vpsel p3, v41, v24;
	v40 =	vmul.f32 @p2 $1.111111120e-01, v43  }
0x169: {  	v27 =	vpsel p2, v27, v0;
	v32 =	vpsel p3, v35, v32;
	(erf) = vrcp.f32 v52;
	v35 =	vmovc @p1 v38  }
0x16a: {  	v31 =	vpsel p2, v40, v31;
	v25 =	vpsel p1, v35, v25;
	v35 =	vor.u32 @p3 $0x8, v24  }
0x16b: {  	v37 =	vpsel p3, v37, v21;
	v29 =	vpsel p2, v43, v29;
	v31 =	vadd.f32 @p2 $1.428571490e-01, v31  }
0x16c: {  	v41 =	vmovc @p2 v42;
	v39 =	vsel @p4 vm2, $0x3F800000, v17;
	vm2 =	vmxor @p4 vm3, vm1;
	v32 =	vmul.f32 @p3 v32, v37  }
0x16d: {  	v22 =	vpsel p2, v41, v22;
	v31 =	vmul.f32 @p2 v31, v29;
	v28 =	vperm.xlane @p3 v36, v35;
	v35 =	vpop @p1 (erf)  }
0x16e: {  	v44 =	vsel @p4 vm2, $0x3F800000, v17;
	v24 =	vperm.xlane @p3 v36, v24;
	v26 =	vmul.f32 @p1 v35, v26  }
0x16f: {  	v22 =	vpsel p2, v22, v0;
	v32 =	vadd.f32 @p3 $1.000000000e+00, v32;
	v30 =	vadd.f32 @p2 $2.000000030e-01, v31  }
0x170: {  	v19 =	vpsel p1, v25, v19;
	vm3 =	vgt.f32 @p3 v24, $0.0e+00;
	v31 =	vmul.f32 @p1 v26, v26  }
0x171: {  	v24 =	vmul.f32 @p2 v30, v29;
	v29 =	vpsel p2, v29, v0;
	v19 =	vpsel p1, v19, v0  }
0x172: {  	vm2 =	vgt.f32 @p3 v28, $0.0e+00;
	v28 =	vmul.f32 @p3 v32, v33;
	v32 =	vmul.f32 @p1 $1.111111120e-01, v31;
	v53 =	vpop (erf)  }
0x173: {  	vm2 =	vmxor @p3 vm2, vm1;
	v24 =	vadd.f32 @p2 $3.333333430e-01, v24;
	v54 =	vmul.f32 v53, v51  }
0x174: {  	v35 =	vshrl.u32 @p2 v0, $0x1;
	v30 =	vsel @p3 vm2, $0x3F800000, v17;
	v23 =	vpsel p1, v32, v23  }
0x175: {  	vm2 =	vmxor @p3 vm3, vm1;
	v25 =	vmovc @p1 v26;
	v23 =	vadd.f32 @p1 $1.428571490e-01, v23;
	v55 =	vmul.f32 v54, v54  }
0x176: {  	v24 =	vpsel p2, v24, v0;
	v57 =	vpsel p1, v25, v20;
	v21 =	vpsel p1, v31, v21  }
0x177: {  	v31 =	vpsel p2, v35, v0;
	v23 =	vmul.f32 @p1 v23, v21;
	v56 =	vmul.f32 $1.111111120e-01, v55  }
0x178: {  	v24 =	vmul.f32 @p2 v24, v29;
	v20 =	vpsel p1, v57, v0;
	v26 =	vor.u32 @p2 $0x8, v31  }
0x179: {  	v20 =	vmul.f32 @p1 $-2.000000000e+00, v20;
	v23 =	vadd.f32 @p1 $2.000000030e-01, v23;
	v58 =	vadd.f32 $1.428571490e-01, v56  }
0x17a: {  	v24 =	vadd.f32 @p2 $1.000000000e+00, v24;
	v25 =	vperm.xlane @p2 v22, v26;
	v26 =	vmul.f32 @p2 $-2.000000000e+00, v27  }
0x17b: {  	s20 =	sadd.s32 @p0 $0x10, s20;
	s22 =	simm.s32 $0x10300;
	v33 =	vsel @p3 vm2, $0x3F800000, v17;
	v23 =	vmul.f32 @p1 v23, v21;
	v59 =	vmul.f32 v58, v55  }
0x17c: {  	s22 =	smov.u32 @p0 s20;
	s20 =	sadd.s32 @p0 $0x20, s21;
	s21 =	simm.s32 $0x10510;
	v22 =	vperm.xlane @p2 v22, v31;
	vm2 =	vgt.f32 @p2 v25, $0.0e+00;
	v24 =	vmul.f32 @p2 v24, v26  }
0x17d: {  	s21 =	smov.u32 @p0 s20;
	[tilespmem:s22+$0x0] =	vst @p4 v34;
	v26 =	vshrl.u32 @p1 v0, $0x1;
	v23 =	vadd.f32 @p1 $3.333333430e-01, v23;
	v25 =	vadd.f32 $2.000000030e-01, v59  }
0x17e: {  	s20 =	sadd.s32 @p4 $0x10, s22;
	s22 =	simm.s32 $0x10300;
	[tilespmem:s21+$0x0] =	vst @p4 v39;
	v63 =	vmul.f32 $-2.000000000e+00, v54;
	vm3 =	vgt.f32 @p2 v22, $0.0e+00;
	v26 =	vpsel p1, v26, v0  }
0x17f: {  	s22 =	smov.u32 @p4 s20;
	s20 =	sadd.s32 @p4 $0x20, s21;
	[tilespmem:s21+$0xFFFFFFF0] =	vst @p4 v44;
	s21 =	simm.s32 $0x10510;
	v21 =	vpsel p1, v21, v0;
	v23 =	vpsel p1, v23, v0;
	v25 =	vmul.f32 v25, v55  }
0x180: {  	s21 =	smov.u32 @p4 s20;
	[tilespmem:s22+$0x0] =	vst @p3 v28;
	vm2 =	vmxor @p2 vm2, vm1;
	v21 =	vmul.f32 @p1 v23, v21;
	v23 =	vor.u32 @p1 $0x8, v26  }
0x181: {  	s20 =	sadd.s32 @p3 $0x10, s22;
	s22 =	simm.s32 $0x10300;
	[tilespmem:s21+$0x0] =	vst @p3 v30;
	v22 =	vsel @p2 vm2, $0x3F800000, v17;
	v23 =	vperm.xlane @p1 v19, v23;
	v25 =	vadd.f32 $3.333333430e-01, v25  }
0x182: {  	s22 =	smov.u32 @p3 s20;
	s20 =	sadd.s32 @p3 $0x20, s21;
	[tilespmem:s21+$0xFFFFFFF0] =	vst @p3 v33;
	s21 =	simm.s32 $0x10510;
	vm2 =	vmxor @p2 vm3, vm1;
	v19 =	vperm.xlane @p1 v19, v26;
	v21 =	vadd.f32 @p1 $1.000000000e+00, v21  }
0x183: {  	s21 =	smov.u32 @p3 s20;
	[tilespmem:s22+$0x0] =	vst @p2 v24;
	v27 =	vsel @p2 vm2, $0x3F800000, v17;
	vm2 =	vgt.f32 @p1 v23, $0.0e+00;
	v61 =	vmul.f32 v25, v55  }
0x184: {  	s20 =	sadd.s32 @p2 $0x10, s22;
	s22 =	simm.s32 $0x10300;
	[tilespmem:s21+$0x0] =	vst @p2 v22;
	vm3 =	vgt.f32 @p1 v19, $0.0e+00;
	v19 =	vor.u32 $0x8, v60;
	v20 =	vmul.f32 @p1 v21, v20  }
0x185: {  	s22 =	smov.u32 @p2 s20;
	s20 =	sadd.s32 @p2 $0x20, s21;
	[tilespmem:s21+$0xFFFFFFF0] =	vst @p2 v27;
	s21 =	simm.s32 $0x10510;
	vm2 =	vmxor @p1 vm2, vm1;
	v19 =	vperm.xlane v18, v19;
	v62 =	vadd.f32 $1.000000000e+00, v61  }
0x186: {  	s21 =	smov.u32 @p2 s20;
	v18 =	vperm.xlane v18, v60;
	[tilespmem:s22+$0x0] =	vst @p1 v20;
	v20 =	vsel @p1 vm2, $0x3F800000, v17;
	vm2 =	vmxor @p1 vm3, vm1  }
0x187: {  	s20 =	sadd.s32 @p1 $0x10, s22;
	[tilespmem:s21+$0x0] =	vst @p1 v20;
	v20 =	vsel @p1 vm2, $0x3F800000, v17;
	vm2 =	vgt.f32 v19, $0.0e+00;
	v19 =	vmul.f32 v62, v63  }
0x188: {  	s19 =	smov.u32 @p1 s20;
	s20 =	sadd.s32 @p1 $0x20, s21;
	vm3 =	vgt.f32 v18, $0.0e+00;
	[tilespmem:s21+$0xFFFFFFF0] =	vst @p1 v20;
	vm2 =	vmxor vm2, vm1  }
0x189: {  	s18 =	smov.u32 @p1 s20;
	[tilespmem:s19+$0x0] =	vst v19;
	v18 =	vsel vm2, $0x3F800000, v17;
	vm2 =	vmxor vm3, vm1  }
0x18a: {  	[tilespmem:s18+$0x0] =	vst v18;
	v18 =	vsel vm2, $0x3F800000, v17  }
0x18b: {  	[tilespmem:s18+$0xFFFFFFF0] =	vst v18  }
0x18c: {  	[hbm4b:s6+s2] =	stream.linear.scatter [tilespmem:s15], [sflag:$0x3], $0x400, $0x38;
	[tilespmem:$0x10900] =	vst v63  }
0x18d: {  	_ =	swait.ge [sflag:s10], $0x400  }
0x18e: {  	s17 =	sadd.s32 $0x1, s17;
	[sflag:s10] =	ssyncset.done $0x0  }
0x18f: {  	p0 =	sne.s32 s17, s8;
	[sflag:s10] =	ssyncadd.s32 $0xFFFFFC00  }
0x190: {  	[hbm4b:s7+s2] =	stream.linear.scatter [tilespmem:s16], [sflag:$0x3], $0x200, $0x38;
	[tilespmem:$0x10900] =	vst v63  }
.Ltmp11:
0x191: {  	_ = 	snop;
	(pc) =	sbr.rel @p0 .LBB2_1-.Ltmp11, $4  }
.Ltmp12:
0x192: {  	_ = 	snop;
	(pc) =	sbr.rel @!p0 .LBB2_24-.Ltmp12, $4  }
0x193: {  	_ =	swait.ge [sflag:s10], $0x200  }
0x194: {  	[sflag:s10] =	ssyncset.done $0x0  }
0x195: {  	[sflag:s10] =	ssyncadd.s32 $0xFFFFFE00  }
0x196: {  	_ = 	snop  }
.LBB2_4:
.Ltmp13:
0x197: {  	(pc) =	sbr.rel .LBB2_9-.Ltmp13, $2  }
0x198: {  	_ =	sdelay $0x2  }
0x199: {  	p1 =	por $0x0, $0x0  }
.LBB2_10:
.Ltmp14:
0x19a: {  	(pc) =	sbr.rel .LBB2_23-.Ltmp14, $3  }
0x19b: {  	_ =	sdelay $0x1  }
0x19c: {  	s20 =	simm.s32 $0x10300;
	s21 =	simm.s32 $0x10510;
	p1 =	por $0x0, $0x0  }
0x19d: {  	v18 =	vmov v19;
	p2 =	por $0x0, $0x0;
	p3 =	por $0x0, $0x0;
	p4 =	por $0x0, $0x0  }
.LBB2_6:
.Ltmp15:
0x19e: {  	(pc) =	sbr.rel .LBB2_9-.Ltmp15, $2  }
0x19f: {  	_ =	sdelay $0x2  }
0x1a0: {  	v18 =	vmov v26;
	s19 =	simm.s32 $0x103;
	v26 =	vmov v27  }
.LBB2_12:
.Ltmp16:
0x1a1: {  	(pc) =	sbr.rel .LBB2_23-.Ltmp16, $3  }
0x1a2: {  	_ =	sdelay $0x1  }
0x1a3: {  	s20 =	simm.s32 $0x10300;
	s21 =	simm.s32 $0x10510  }
0x1a4: {  	v38 =	vmov v19;
	v18 =	vmov v22;
	p2 =	por $0x0, $0x0;
	p3 =	por $0x0, $0x0;
	p4 =	por $0x0, $0x0  }
.LBB2_14:
.Ltmp17:
0x1a5: {  	(pc) =	sbr.rel .LBB2_23-.Ltmp17, $3  }
0x1a6: {  	_ =	sdelay $0x1  }
0x1a7: {  	s20 =	simm.s32 $0x10300  }
0x1a8: {  	v42 =	vmov v19;
	v38 =	vmov v22;
	v18 =	vmov v25;
	s21 =	simm.s32 $0x10510;
	p3 =	por $0x0, $0x0;
	p4 =	por $0x0, $0x0  }
.LBB2_16:
.Ltmp18:
0x1a9: {  	(pc) =	sbr.rel .LBB2_23-.Ltmp18, $3  }
0x1aa: {  	_ =	sdelay $0x1  }
0x1ab: {  	v42 =	vmov v22;
	v38 =	vmov v25  }
0x1ac: {  	v37 =	vmovc v21;
	v36 =	vmovc v19;
	v30 =	vmov v27;
	s20 =	simm.s32 $0x10300;
	s21 =	simm.s32 $0x10510;
	v33 =	vmov v20;
	p4 =	por $0x0, $0x0;
	v39 =	vmov v23  }
.LBB2_18:
.Ltmp19:
0x1ad: {  	(pc) =	sbr.rel .LBB2_23-.Ltmp19, $4  }
0x1ae: {  	_ = 	snop  }
0x1af: {  	v38 =	vmov v18;
	v34 =	vmov v21  }
0x1b0: {  	v40 =	vmovc v32;
	v35 =	vmovc v19;
	v37 =	vmov v29;
	v43 =	vmov v20;
	v36 =	vmov v22  }
0x1b1: {  	v42 =	vmovc v25;
	v30 =	vmovc v28;
	v18 =	vmov v41;
	s20 =	simm.s32 $0x10300;
	s21 =	simm.s32 $0x10510;
	v33 =	vmov v27;
	v39 =	vmov v31  }
.LBB2_20:
.Ltmp20:
0x1b2: {  	(pc) =	sbr.rel .LBB2_23-.Ltmp20, $3  }
0x1b3: {  	_ =	sdelay $0x1  }
0x1b4: {  	v42 =	vmov v18;
	v34 =	vmov v29  }
0x1b5: {  	v35 =	vmovc v22;
	v43 =	vmovc v27;
	v36 =	vmov v25;
	v38 =	vmov v41;
	v18 =	vmov v44;
	s20 =	simm.s32 $0x10300;
	s21 =	simm.s32 $0x10510  }
.LBB2_24:
0x1b6: {  	_ =	sfence.sel $0x180000  }
0x1b7: {  	[bflag:$0x0] =	sbarrier.arrive $0xFFFF  }
0x1b8: {  	p0 =	sne.s32 s1, $0x0;
	_ =	strace $0x90000047  }
0x1b9: {  	s0 =	sadd.s32 @!p0 $0x100000, s0;
	[bflag:$0x2] =	sbarrier.arrive $0xFFFF  }
0x1ba: {  	[sflag:s0] =	ssyncadd.tile.s32 @!p0 $0x1;
	_ =	shalt  }
.Lfunc_end2:
_tile_overlayer_lowered:
.L_overlay_start_2:
0x1bb: {  	(tag) =	ssettag $0x2  }
0x1bc: {  	s0 =	rddreg [dreg:$0x0];
	s2 =	stileid.u32  }
0x1bd: {  	s1 =	rddreg [dreg:$0x1];
	p0 =	sne.s32 s2, $0x0  }
0x1be: {  	s3 =	rddreg [dreg:$0x2];
	[bflag:$0x3] =	sbarrier.arrive $0xFFFF;
	s2 =	simm.s32 @!p0 $0x1C03  }
0x1bf: {  	[timem:s3], [sflag:s2] =	dma.local @!p0 [hbm:s0], s1  }
0x1c0: {  	s0 =	simm.s32 @!p0 $0x3  }
0x1c1: {  	_ =	swait.ge @!p0 [sflag:s0], s1  }
0x1c2: {  	s1 =	ssub.s32 @!p0 $0x0, s1;
	[sflag:s0] =	ssyncset.done @!p0 $0x0  }
0x1c3: {  	[sflag:s0] =	ssyncadd.s32 @!p0 s1  }
0x1c4: {  	[bflag:$0x3] =	sbarrier.arrive $0xFFFF  }
0x1c5: {  	_ =	shalt  }

</sc_bundles>
